<compile_context>
chip_gen: v7x
topology: tpu7x:2x2x1
jax: 0.10.2.dev20260603
libtpu: 0.0.44.dev20260713+nightly
codegen_flags: <defaults>
</compile_context>

<pallas_src>
import functools

import jax
import jax.numpy as jnp
from jax import lax
from jax.experimental import pallas as pl
from jax.experimental.pallas import tpu as pltpu
from jax.experimental.pallas import tpu_sc as plsc

N = 10000
E = 320000
NG = 256
EPS = 1e-5

NC = 2
NS = 16
CH = 80
EPT = E // NS
NCHT = EPT // CH
NCH = E // CH
RPT = N // NS

NBLK = 10
BLK = N // NBLK



_MESH = plsc.VectorSubcoreMesh(core_axis_name="c", subcore_axis_name="s")
_SC_PARAMS = pltpu.CompilerParams(use_tc_tiling_on_sc=False)


@functools.partial(
    pl.kernel,
    out_type=jax.ShapeDtypeStruct((2 * N, 16), jnp.float32),
    mesh=_MESH,
    compiler_params=_SC_PARAMS,
    scratch_types=[
        pltpu.VMEM((NCHT, CH), jnp.int32),
        pltpu.VMEM((CH, 16), jnp.float32),
        pltpu.VMEM_SHARED((N, 16), jnp.float32),
    ],
)
def _sc_degree(dst_hbm, ones_hbm, zeros_hbm, out_hbm, dstb, onesb, acc):
    cid = lax.axis_index("c")
    sid = lax.axis_index("s")
    pltpu.sync_copy(dst_hbm.at[pl.ds(cid * NCH + sid * NCHT, NCHT)], dstb)
    pltpu.sync_copy(ones_hbm, onesb)
    r0 = sid * RPT
    pltpu.sync_copy(zeros_hbm.at[pl.ds(r0, RPT)], acc.at[pl.ds(r0, RPT)])
    plsc.subcore_barrier()

    def step(j, carry):
        pltpu.sync_copy(onesb, acc.at[dstb.at[j]], add=True)
        return carry

    lax.fori_loop(0, NCHT, step, 0)
    plsc.subcore_barrier()
    pltpu.sync_copy(acc.at[pl.ds(r0, RPT)], out_hbm.at[pl.ds(cid * N + r0, RPT)])


def _make_sc_conv(D):
    @functools.partial(
        pl.kernel,
        out_type=jax.ShapeDtypeStruct((2 * N, D), jnp.float32),
        mesh=_MESH,
        compiler_params=_SC_PARAMS,
        scratch_types=[
            pltpu.VMEM((EPT,), jnp.int32),
            pltpu.VMEM((NCHT, CH), jnp.int32),
            pltpu.VMEM((CH, D), jnp.float32),
            pltpu.VMEM_SHARED((N, D), jnp.float32),
        ],
    )
    def conv(h_hbm, src_hbm, dst_hbm, zeros_hbm, out_hbm, srcb, dstb, buf, acc):
        cid = lax.axis_index("c")
        sid = lax.axis_index("s")
        pltpu.sync_copy(src_hbm.at[pl.ds(cid * E + sid * EPT, EPT)], srcb)
        pltpu.sync_copy(dst_hbm.at[pl.ds(cid * NCH + sid * NCHT, NCHT)], dstb)
        r0 = sid * RPT
        pltpu.sync_copy(zeros_hbm.at[pl.ds(r0, RPT)], acc.at[pl.ds(r0, RPT)])
        plsc.subcore_barrier()

        def step(j, carry):
            pltpu.sync_copy(h_hbm.at[srcb.at[pl.ds(j * CH, CH)]], buf)
            pltpu.sync_copy(buf, acc.at[dstb.at[j]], add=True)
            return carry

        lax.fori_loop(0, NCHT, step, 0)
        plsc.subcore_barrier()
        pltpu.sync_copy(acc.at[pl.ds(r0, RPT)],
                        out_hbm.at[pl.ds(cid * N + r0, RPT)])

    return conv


_sc_conv128 = _make_sc_conv(128)
_sc_conv64 = _make_sc_conv(64)



def _row_spec(d):
    return pl.BlockSpec((BLK, d), lambda i: (i, 0))


def _full_spec(shape):
    nd = len(shape)
    return pl.BlockSpec(shape, lambda i, _n=nd: (0,) * _n)


def _dinv(deg_blk):
    return lax.rsqrt(deg_blk[:, :1] + 1.0)


def _tc1_body(xc, xs, w1c, w1s, dgc, dgs, hc_o, hs_o):
    hc_o[...] = jnp.dot(xc[...], w1c[...],
                        preferred_element_type=jnp.float32) * _dinv(dgc[...])
    hs_o[...] = jnp.dot(xs[...], w1s[...],
                        preferred_element_type=jnp.float32) * _dinv(dgs[...])


def _tc1(x_c, x_s, W1_c, W1_s, deg_c, deg_s):
    return pl.pallas_call(
        _tc1_body,
        grid=(NBLK,),
        in_specs=[_row_spec(128), _row_spec(128), _full_spec((128, 128)),
                  _full_spec((128, 128)), _row_spec(16), _row_spec(16)],
        out_specs=[_row_spec(128), _row_spec(128)],
        out_shape=[jax.ShapeDtypeStruct((N, 128), jnp.float32)] * 2,
    )(x_c, x_s, W1_c, W1_s, deg_c, deg_s)


def _make_tc_pre(D):

    def body(ac, as_, hc, hs, dgc, dgs, yc_o, ys_o, part_o):
        yc = _dinv(dgc[...]) * (ac[...] + hc[...])
        ys = _dinv(dgs[...]) * (as_[...] + hs[...])
        yc_o[...] = yc
        ys_o[...] = ys
        part_o[...] = jnp.stack([
            jnp.stack([jnp.sum(yc, 0), jnp.sum(yc * yc, 0)]),
            jnp.stack([jnp.sum(ys, 0), jnp.sum(ys * ys, 0)]),
        ])[None]

    def run(acc_c, acc_s, h_c, h_s, deg_c, deg_s):
        return pl.pallas_call(
            body,
            grid=(NBLK,),
            in_specs=[_row_spec(D)] * 4 + [_row_spec(16)] * 2,
            out_specs=[_row_spec(D), _row_spec(D),
                       pl.BlockSpec((1, 2, 2, D), lambda i: (i, 0, 0, 0))],
            out_shape=[jax.ShapeDtypeStruct((N, D), jnp.float32),
                       jax.ShapeDtypeStruct((N, D), jnp.float32),
                       jax.ShapeDtypeStruct((NBLK, 2, 2, D), jnp.float32)],
        )(acc_c, acc_s, h_c, h_s, deg_c, deg_s)

    return run


_tc_pre128 = _make_tc_pre(128)
_tc_pre64 = _make_tc_pre(64)


def _bn_apply(y, sums, g, be):
    mean = sums[0] / N
    var = sums[1] / N - mean * mean
    return (y - mean[None, :]) * lax.rsqrt(var[None, :] + EPS) * g[None, :] \
        + be[None, :]


def _tc2b_body(yc, ys, part, g1c, be1c, g1s, be1s, w2c, w2s, dgc, dgs,
               hc_o, hs_o):
    sums = jnp.sum(part[...], axis=0)
    xc = jnp.maximum(_bn_apply(yc[...], sums[0], g1c[...], be1c[...]), 0.0)
    xs = jnp.maximum(_bn_apply(ys[...], sums[1], g1s[...], be1s[...]), 0.0)
    hc_o[...] = jnp.dot(xc, w2c[...],
                        preferred_element_type=jnp.float32) * _dinv(dgc[...])
    hs_o[...] = jnp.dot(xs, w2s[...],
                        preferred_element_type=jnp.float32) * _dinv(dgs[...])


def _tc2b(y_c, y_s, part, g1c, be1c, g1s, be1s, W2_c, W2_s, deg_c, deg_s):
    return pl.pallas_call(
        _tc2b_body,
        grid=(NBLK,),
        in_specs=[_row_spec(128), _row_spec(128),
                  _full_spec((NBLK, 2, 2, 128)),
                  _full_spec((128,)), _full_spec((128,)),
                  _full_spec((128,)), _full_spec((128,)),
                  _full_spec((128, 64)), _full_spec((128, 64)),
                  _row_spec(16), _row_spec(16)],
        out_specs=[_row_spec(64), _row_spec(64)],
        out_shape=[jax.ShapeDtypeStruct((N, 64), jnp.float32)] * 2,
    )(y_c, y_s, part, g1c, be1c, g1s, be1s, W2_c, W2_s, deg_c, deg_s)


def _tc3b_body(yc, ys, part, g2c, be2c, g2s, be2s, batch, pool_o, cnt_o):
    sums = jnp.sum(part[...], axis=0)
    zc = jnp.maximum(_bn_apply(yc[...], sums[0], g2c[...], be2c[...]), 0.0)
    zs = jnp.maximum(_bn_apply(ys[...], sums[1], g2s[...], be2s[...]), 0.0)
    gids = lax.broadcasted_iota(jnp.int32, (NG, BLK), 0)
    onehot = (batch[...][0] == gids).astype(jnp.float32)
    pool_o[...] = jnp.stack([
        jnp.dot(onehot, zc, preferred_element_type=jnp.float32),
        jnp.dot(onehot, zs, preferred_element_type=jnp.float32),
    ])[None]
    cnt_o[...] = jnp.broadcast_to(
        jnp.sum(onehot, axis=1, keepdims=True), (NG, 16))[None]


def _tc3b(y2_c, y2_s, part, g2c, be2c, g2s, be2s, batch2d):
    return pl.pallas_call(
        _tc3b_body,
        grid=(NBLK,),
        in_specs=[_row_spec(64), _row_spec(64),
                  _full_spec((NBLK, 2, 2, 64)),
                  _full_spec((64,)), _full_spec((64,)),
                  _full_spec((64,)), _full_spec((64,)),
                  pl.BlockSpec((1, 1, BLK), lambda i: (i, 0, 0))],
        out_specs=[pl.BlockSpec((1, 2, NG, 64), lambda i: (i, 0, 0, 0)),
                   pl.BlockSpec((1, NG, 16), lambda i: (i, 0, 0))],
        out_shape=[jax.ShapeDtypeStruct((NBLK, 2, NG, 64), jnp.float32),
                   jax.ShapeDtypeStruct((NBLK, NG, 16), jnp.float32)],
    )(y2_c, y2_s, part, g2c, be2c, g2s, be2s, batch2d)


def _tc4_body(pool, cnt, fc1w, gfc, befc, fc2w, fc2b, out_o):
    psum = jnp.sum(pool[...], axis=0)
    c = jnp.maximum(jnp.sum(cnt[...], axis=0)[:, :1], 1.0)
    x = jnp.concatenate([psum[0] / c, psum[1] / c], axis=1)
    h = jnp.dot(x, fc1w[...], preferred_element_type=jnp.float32)
    m = jnp.mean(h, axis=0)
    v = jnp.mean((h - m[None, :]) ** 2, axis=0)
    h = (h - m[None, :]) * lax.rsqrt(v[None, :] + EPS) * gfc[...][None, :] \
        + befc[...][None, :]
    h = jnp.maximum(h, 0.0)
    out_o[...] = jnp.dot(h, fc2w[...],
                         preferred_element_type=jnp.float32) + fc2b[...][None, :]


def _tc4(pool, cnt, fc1_W, gfc, befc, fc2_Wp, fc2_bp):
    return pl.pallas_call(
        _tc4_body,
        grid=(1,),
        in_specs=[_full_spec((NBLK, 2, NG, 64)), _full_spec((NBLK, NG, 16)),
                  _full_spec((128, 64)), _full_spec((64,)), _full_spec((64,)),
                  _full_spec((64, 128)), _full_spec((128,))],
        out_specs=_full_spec((NG, 128)),
        out_shape=jax.ShapeDtypeStruct((NG, 128), jnp.float32),
    )(pool, cnt, fc1_W, gfc, befc, fc2_Wp, fc2_bp)



def kernel(x_chromophore, edge_index_chromophore, edge_attr_chromophore,
           x_solvent, edge_index_solvent, edge_attr_solvent, batch,
           W1_c, b1_c, g1_c, be1_c, W2_c, b2_c, g2_c, be2_c,
           W1_s, b1_s, g1_s, be1_s, W2_s, b2_s, g2_s, be2_s,
           fc1_W, fc1_b, gfc, befc, fc2_W, fc2_b):
    del edge_attr_chromophore, edge_attr_solvent
    del b1_c, b2_c, b1_s, b2_s, fc1_b

    src = jnp.concatenate([edge_index_chromophore[0],
                           edge_index_solvent[0] + N])
    dst2 = jnp.concatenate([edge_index_chromophore[1].reshape(NCH, CH),
                            edge_index_solvent[1].reshape(NCH, CH)])
    ones16 = jnp.ones((CH, 16), jnp.float32)
    z16 = jnp.zeros((N, 16), jnp.float32)
    z128 = jnp.zeros((N, 128), jnp.float32)
    z64 = jnp.zeros((N, 64), jnp.float32)

    degp = _sc_degree(dst2, ones16, z16)
    deg_c, deg_s = degp[:N], degp[N:]

    h1c, h1s = _tc1(x_chromophore, x_solvent, W1_c, W1_s, deg_c, deg_s)
    acc1 = _sc_conv128(jnp.concatenate([h1c, h1s]), src, dst2, z128)
    yc, ys, p1 = _tc_pre128(acc1[:N], acc1[N:], h1c, h1s, deg_c, deg_s)
    h2c, h2s = _tc2b(yc, ys, p1, g1_c, be1_c, g1_s, be1_s, W2_c, W2_s,
                     deg_c, deg_s)

    acc2 = _sc_conv64(jnp.concatenate([h2c, h2s]), src, dst2, z64)
    y2c, y2s, p2 = _tc_pre64(acc2[:N], acc2[N:], h2c, h2s, deg_c, deg_s)
    pool, cnt = _tc3b(y2c, y2s, p2, g2_c, be2_c, g2_s, be2_s,
                      batch.reshape(NBLK, 1, BLK))

    fc2_Wp = jnp.pad(fc2_W, ((0, 0), (0, 127)))
    fc2_bp = jnp.pad(fc2_b, (0, 127))
    out = _tc4(pool, cnt, fc1_W, gfc, befc, fc2_Wp, fc2_bp)
    return out[:, :1]

# --- scband reference (transcript-rebuilt; emitter-appended) ---
"""Pipeline reference for scband-double-graph-gnn-10900626997630 (READ-ONLY COPY).

The authoritative reference and input builder live on the scoring server;
editing this copy changes nothing except your own understanding.
"""

import jax, jax.numpy as jnp
import numpy as np

N = 10000
E = 320000
D = 128
NG = 256
OUT = 1
EPS = 1e-5


def setup_inputs(seed: int = 0) -> dict:
    key = jax.random.key(seed)
    ks = jax.random.split(key, 40)
    inp = {}
    inp['x_chromophore'] = jax.random.normal(ks[0], (N, D), jnp.float32)
    inp['edge_index_chromophore'] = jax.random.randint(ks[1], (2, E), 0, N, dtype=jnp.int32)
    inp['edge_attr_chromophore'] = jax.random.normal(ks[2], (E, 4), jnp.float32)
    inp['x_solvent'] = jax.random.normal(ks[3], (N, D), jnp.float32)
    inp['edge_index_solvent'] = jax.random.randint(ks[4], (2, E), 0, N, dtype=jnp.int32)
    inp['edge_attr_solvent'] = jax.random.normal(ks[5], (E, 4), jnp.float32)
    inp['batch'] = jnp.sort(jax.random.randint(ks[6], (N,), 0, NG, dtype=jnp.int32))
    def w(k, shape):
        return (jax.random.normal(k, shape, jnp.float32) * 0.05)
    # chromophore branch
    inp['W1_c'] = w(ks[7], (D, 128)); inp['b1_c'] = jnp.zeros((128,), jnp.float32)
    inp['g1_c'] = jnp.ones((128,), jnp.float32); inp['be1_c'] = jnp.zeros((128,), jnp.float32)
    inp['W2_c'] = w(ks[8], (128, 64)); inp['b2_c'] = jnp.zeros((64,), jnp.float32)
    inp['g2_c'] = jnp.ones((64,), jnp.float32); inp['be2_c'] = jnp.zeros((64,), jnp.float32)
    # solvent branch
    inp['W1_s'] = w(ks[9], (D, 128)); inp['b1_s'] = jnp.zeros((128,), jnp.float32)
    inp['g1_s'] = jnp.ones((128,), jnp.float32); inp['be1_s'] = jnp.zeros((128,), jnp.float32)
    inp['W2_s'] = w(ks[10], (128, 64)); inp['b2_s'] = jnp.zeros((64,), jnp.float32)
    inp['g2_s'] = jnp.ones((64,), jnp.float32); inp['be2_s'] = jnp.zeros((64,), jnp.float32)
    # head
    inp['fc1_W'] = w(ks[11], (128, 64)); inp['fc1_b'] = jnp.zeros((64,), jnp.float32)
    inp['gfc'] = jnp.ones((64,), jnp.float32); inp['befc'] = jnp.zeros((64,), jnp.float32)
    inp['fc2_W'] = w(ks[12], (64, OUT)); inp['fc2_b'] = jnp.zeros((OUT,), jnp.float32)
    return inp


def gcn_conv(x, edge_index, W, b):
    # PyG GCNConv: add self-loops, symmetric normalization, sum aggregation
    src = edge_index[0]
    dst = edge_index[1]
    loop = jnp.arange(N, dtype=src.dtype)
    src = jnp.concatenate([src, loop])
    dst = jnp.concatenate([dst, loop])
    ones = jnp.ones_like(dst, dtype=x.dtype)
    deg = jax.ops.segment_sum(ones, dst, num_segments=N)
    dinv = jnp.where(deg > 0, jax.lax.rsqrt(deg), 0.0)
    h = x @ W
    norm = dinv[src] * dinv[dst]
    msg = h[src] * norm[:, None]
    out = jax.ops.segment_sum(msg, dst, num_segments=N)
    return out + b


def batch_norm(x, g, b):
    m = jnp.mean(x, axis=0)
    v = jnp.var(x, axis=0)
    return (x - m) * jax.lax.rsqrt(v + EPS) * g + b


def global_mean_pool(x, batch):
    s = jax.ops.segment_sum(x, batch, num_segments=NG)
    cnt = jax.ops.segment_sum(jnp.ones((x.shape[0],), x.dtype), batch, num_segments=NG)
    cnt = jnp.maximum(cnt, 1.0)
    return s / cnt[:, None]


def reference(x_chromophore, edge_index_chromophore, edge_attr_chromophore,
              x_solvent, edge_index_solvent, edge_attr_solvent, batch,
              W1_c, b1_c, g1_c, be1_c, W2_c, b2_c, g2_c, be2_c,
              W1_s, b1_s, g1_s, be1_s, W2_s, b2_s, g2_s, be2_s,
              fc1_W, fc1_b, gfc, befc, fc2_W, fc2_b):
    xc = jax.nn.relu(batch_norm(gcn_conv(x_chromophore, edge_index_chromophore, W1_c, b1_c), g1_c, be1_c))
    xc = jax.nn.relu(batch_norm(gcn_conv(xc, edge_index_chromophore, W2_c, b2_c), g2_c, be2_c))
    xs = jax.nn.relu(batch_norm(gcn_conv(x_solvent, edge_index_solvent, W1_s, b1_s), g1_s, be1_s))
    xs = jax.nn.relu(batch_norm(gcn_conv(xs, edge_index_solvent, W2_s, b2_s), g2_s, be2_s))
    xc = global_mean_pool(xc, batch)
    xs = global_mean_pool(xs, batch)
    x = jnp.concatenate([xc, xs], axis=1)
    x = jax.nn.relu(batch_norm(x @ fc1_W + fc1_b, gfc, befc))
    # dropout is identity in eval mode
    x = x @ fc2_W + fc2_b
    return x

if __name__ == "__main__":
    import jax
    _d = setup_inputs()
    print(jax.jit(kernel)(*tuple(_d.values())))

</pallas_src>

<mosaic_0001>
#map = affine_map<(d0, d1) -> (0, 0)>
module attributes {stable_mosaic.version = 14 : i64} {
  func.func @_sc_degree(%arg0: i32, %arg1: i32, %arg2: memref<8000x80xi32, #tpu.memory_space<hbm>>, %arg3: memref<80x16xf32, #tpu.memory_space<hbm>>, %arg4: memref<10000x16xf32, #tpu.memory_space<hbm>>, %arg5: memref<20000x16xf32, #tpu.memory_space<hbm>>, %arg6: memref<250x80xi32, #tpu.memory_space<vmem>>, %arg7: memref<80x16xf32, #tpu.memory_space<vmem>>, %arg8: memref<10000x16xf32, #tpu.memory_space<vmem_shared>>) attributes {dimension_semantics = [#tpu.dimension_semantics<core_parallel>, #tpu.dimension_semantics<subcore_parallel>], iteration_bounds = array<i64: 2, 16>, scalar_prefetch = 0 : i64, scratch_operands = 3 : i64, tpu.core_type = #tpu.core_type<sc_vector_subcore>, window_params = [{transform_indices = #map}, {transform_indices = #map}, {transform_indices = #map}, {transform_indices = #map}]} {
    %mul3A = arith.constant 4000 : i32
    %mul3A_0 = arith.muli %arg0, %mul3A : i32
    %mul3A_1 = arith.constant 250 : i32
    %mul3A_2 = arith.muli %arg1, %mul3A_1 : i32
    %add3A = arith.addi %mul3A_0, %mul3A_2 : i32
    "tpu.region"() ({
      %run_scoped3A = tpu.sem_alloc : memref<!tpu.dma_semaphore, #tpu.memory_space<semaphore_mem>>
      %dma_start3A = arith.constant 0 : i32
      %dma_start3A_14 = tpu.memref_slice %arg2[%add3A, %dma_start3A] : memref<8000x80xi32, #tpu.memory_space<hbm>> -> memref<250x80xi32, #tpu.memory_space<hbm>>
      %dma_start3A_15 = arith.constant 0 : i32
      %dma_start3A_16 = tpu.memref_slice %arg2[%add3A, %dma_start3A_15] : memref<8000x80xi32, #tpu.memory_space<hbm>> -> memref<250x80xi32, #tpu.memory_space<hbm>>
      tpu.enqueue_dma source(%dma_start3A_16 : memref<250x80xi32, #tpu.memory_space<hbm>>) target(%arg6 : memref<250x80xi32, #tpu.memory_space<vmem>>) target_semaphore(%run_scoped3A : memref<!tpu.dma_semaphore, #tpu.memory_space<semaphore_mem>>)
      %dma_wait3A = arith.constant 0 : i32
      %dma_wait3A_17 = tpu.memref_slice %arg2[%add3A, %dma_wait3A] : memref<8000x80xi32, #tpu.memory_space<hbm>> -> memref<250x80xi32, #tpu.memory_space<hbm>>
      %dma_wait3A_18 = arith.constant 0 : i32
      %dma_wait3A_19 = tpu.memref_slice %arg2[%add3A, %dma_wait3A_18] : memref<8000x80xi32, #tpu.memory_space<hbm>> -> memref<250x80xi32, #tpu.memory_space<hbm>>
      tpu.wait_dma2 semaphore(%run_scoped3A : memref<!tpu.dma_semaphore, #tpu.memory_space<semaphore_mem>>) src(%dma_wait3A_19 : memref<250x80xi32, #tpu.memory_space<hbm>>) dst(%arg6 : memref<250x80xi32, #tpu.memory_space<vmem>>)
      tpu.yield
    }) : () -> ()
    "tpu.region"() ({
      %run_scoped3A = tpu.sem_alloc : memref<!tpu.dma_semaphore, #tpu.memory_space<semaphore_mem>>
      tpu.enqueue_dma source(%arg3 : memref<80x16xf32, #tpu.memory_space<hbm>>) target(%arg7 : memref<80x16xf32, #tpu.memory_space<vmem>>) target_semaphore(%run_scoped3A : memref<!tpu.dma_semaphore, #tpu.memory_space<semaphore_mem>>)
      tpu.wait_dma2 semaphore(%run_scoped3A : memref<!tpu.dma_semaphore, #tpu.memory_space<semaphore_mem>>) src(%arg3 : memref<80x16xf32, #tpu.memory_space<hbm>>) dst(%arg7 : memref<80x16xf32, #tpu.memory_space<vmem>>)
      tpu.yield
    }) : () -> ()
    %mul3A_3 = arith.constant 625 : i32
    %mul3A_4 = arith.muli %arg1, %mul3A_3 : i32
    "tpu.region"() ({
      %run_scoped3A = tpu.sem_alloc : memref<!tpu.dma_semaphore, #tpu.memory_space<semaphore_mem>>
      %dma_start3A = arith.constant 0 : i32
      %dma_start3A_14 = tpu.memref_slice %arg8[%mul3A_4, %dma_start3A] : memref<10000x16xf32, #tpu.memory_space<vmem_shared>> -> memref<625x16xf32, #tpu.memory_space<vmem_shared>>
      %dma_start3A_15 = arith.constant 0 : i32
      %dma_start3A_16 = tpu.memref_slice %arg4[%mul3A_4, %dma_start3A_15] : memref<10000x16xf32, #tpu.memory_space<hbm>> -> memref<625x16xf32, #tpu.memory_space<hbm>>
      tpu.enqueue_dma source(%dma_start3A_16 : memref<625x16xf32, #tpu.memory_space<hbm>>) target(%dma_start3A_14 : memref<625x16xf32, #tpu.memory_space<vmem_shared>>) target_semaphore(%run_scoped3A : memref<!tpu.dma_semaphore, #tpu.memory_space<semaphore_mem>>)
      %dma_wait3A = arith.constant 0 : i32
      %dma_wait3A_17 = tpu.memref_slice %arg8[%mul3A_4, %dma_wait3A] : memref<10000x16xf32, #tpu.memory_space<vmem_shared>> -> memref<625x16xf32, #tpu.memory_space<vmem_shared>>
      %dma_wait3A_18 = arith.constant 0 : i32
      %dma_wait3A_19 = tpu.memref_slice %arg4[%mul3A_4, %dma_wait3A_18] : memref<10000x16xf32, #tpu.memory_space<hbm>> -> memref<625x16xf32, #tpu.memory_space<hbm>>
      tpu.wait_dma2 semaphore(%run_scoped3A : memref<!tpu.dma_semaphore, #tpu.memory_space<semaphore_mem>>) src(%dma_wait3A_19 : memref<625x16xf32, #tpu.memory_space<hbm>>) dst(%dma_wait3A_17 : memref<625x16xf32, #tpu.memory_space<vmem_shared>>)
      tpu.yield
    }) : () -> ()
    %barrier3A = arith.constant 0 : index
    tpu.barrier barrier_id(%barrier3A)
    %scan3A = arith.constant 0 : i32
    %scan3A_5 = arith.constant 0 : i32
    %scan3A_6 = arith.constant 250 : i32
    %scan3A_7 = arith.addi %scan3A_5, %scan3A_6 : i32
    %scan3A_8 = arith.constant 1 : i32
    scf.for %scan3A_14 = %scan3A_5 to %scan3A_7 step %scan3A_8  : i32 {
      "tpu.region"() ({
        %run_scoped3A = tpu.sem_alloc : memref<!tpu.dma_semaphore, #tpu.memory_space<semaphore_mem>>
        %dma_start3A = arith.constant 0 : i32
        %dma_start3A_15 = tpu.memref_slice %arg6[%scan3A_14, %dma_start3A] : memref<250x80xi32, #tpu.memory_space<vmem>> -> memref<1x80xi32, #tpu.memory_space<vmem>>
        %dma_start3A_16 = tpu.memref_squeeze %dma_start3A_15 : memref<1x80xi32, #tpu.memory_space<vmem>> -> memref<80xi32, #tpu.memory_space<vmem>>
        %dma_start3A_17 = arith.constant 0 : i32
        %dma_start3A_18 = arith.constant 0 : i32
        %dma_start3A_19 = tpu.memref_slice %arg8[%dma_start3A_17, %dma_start3A_18] : memref<10000x16xf32, #tpu.memory_space<vmem_shared>> -> memref<10000x16xf32, #tpu.memory_space<vmem_shared>>
        tpu.enqueue_indirect_dma source(%arg7 : memref<80x16xf32, #tpu.memory_space<vmem>>) target(%dma_start3A_19 : memref<10000x16xf32, #tpu.memory_space<vmem_shared>>) offsets(%dma_start3A_16 : memref<80xi32, #tpu.memory_space<vmem>>) semaphore(%run_scoped3A : memref<!tpu.dma_semaphore, #tpu.memory_space<semaphore_mem>>) {add = true}
        %dma_wait3A = arith.constant 0 : i32
        %dma_wait3A_20 = tpu.memref_slice %arg6[%scan3A_14, %dma_wait3A] : memref<250x80xi32, #tpu.memory_space<vmem>> -> memref<1x80xi32, #tpu.memory_space<vmem>>
        %dma_wait3A_21 = tpu.memref_squeeze %dma_wait3A_20 : memref<1x80xi32, #tpu.memory_space<vmem>> -> memref<80xi32, #tpu.memory_space<vmem>>
        %dma_wait3A_22 = arith.constant 0 : i32
        %dma_wait3A_23 = arith.constant 0 : i32
        %dma_wait3A_24 = tpu.memref_slice %arg8[%dma_wait3A_22, %dma_wait3A_23] : memref<10000x16xf32, #tpu.memory_space<vmem_shared>> -> memref<10000x16xf32, #tpu.memory_space<vmem_shared>>
        tpu.wait_indirect_dma semaphore(%run_scoped3A : memref<!tpu.dma_semaphore, #tpu.memory_space<semaphore_mem>>) src(%arg7 : memref<80x16xf32, #tpu.memory_space<vmem>>) dst(%dma_wait3A_24 : memref<10000x16xf32, #tpu.memory_space<vmem_shared>>)
        tpu.yield
      }) : () -> ()
    }
    %scan3A_9 = arith.constant 250 : i32
    %barrier3A_10 = arith.constant 0 : index
    tpu.barrier barrier_id(%barrier3A_10)
    %mul3A_11 = arith.constant 10000 : i32
    %mul3A_12 = arith.muli %arg0, %mul3A_11 : i32
    %add3A_13 = arith.addi %mul3A_12, %mul3A_4 : i32
    "tpu.region"() ({
      %run_scoped3A = tpu.sem_alloc : memref<!tpu.dma_semaphore, #tpu.memory_space<semaphore_mem>>
      %dma_start3A = arith.constant 0 : i32
      %dma_start3A_14 = tpu.memref_slice %arg5[%add3A_13, %dma_start3A] : memref<20000x16xf32, #tpu.memory_space<hbm>> -> memref<625x16xf32, #tpu.memory_space<hbm>>
      %dma_start3A_15 = arith.constant 0 : i32
      %dma_start3A_16 = tpu.memref_slice %arg8[%mul3A_4, %dma_start3A_15] : memref<10000x16xf32, #tpu.memory_space<vmem_shared>> -> memref<625x16xf32, #tpu.memory_space<vmem_shared>>
      tpu.enqueue_dma source(%dma_start3A_16 : memref<625x16xf32, #tpu.memory_space<vmem_shared>>) target(%dma_start3A_14 : memref<625x16xf32, #tpu.memory_space<hbm>>) target_semaphore(%run_scoped3A : memref<!tpu.dma_semaphore, #tpu.memory_space<semaphore_mem>>)
      %dma_wait3A = arith.constant 0 : i32
      %dma_wait3A_17 = tpu.memref_slice %arg5[%add3A_13, %dma_wait3A] : memref<20000x16xf32, #tpu.memory_space<hbm>> -> memref<625x16xf32, #tpu.memory_space<hbm>>
      %dma_wait3A_18 = arith.constant 0 : i32
      %dma_wait3A_19 = tpu.memref_slice %arg8[%mul3A_4, %dma_wait3A_18] : memref<10000x16xf32, #tpu.memory_space<vmem_shared>> -> memref<625x16xf32, #tpu.memory_space<vmem_shared>>
      tpu.wait_dma2 semaphore(%run_scoped3A : memref<!tpu.dma_semaphore, #tpu.memory_space<semaphore_mem>>) src(%dma_wait3A_19 : memref<625x16xf32, #tpu.memory_space<vmem_shared>>) dst(%dma_wait3A_17 : memref<625x16xf32, #tpu.memory_space<hbm>>)
      tpu.yield
    }) : () -> ()
    return
  }
}

#map = affine_map<(d0, d1) -> (0, 0)>
#map1 = affine_map<(d0, d1) -> (0)>
module attributes {stable_mosaic.version = 14 : i64} {
  func.func @conv(%arg0: i32, %arg1: i32, %arg2: memref<20000x128xf32, #tpu.memory_space<hbm>>, %arg3: memref<640000xi32, #tpu.memory_space<hbm>>, %arg4: memref<8000x80xi32, #tpu.memory_space<hbm>>, %arg5: memref<10000x128xf32, #tpu.memory_space<hbm>>, %arg6: memref<20000x128xf32, #tpu.memory_space<hbm>>, %arg7: memref<20000xi32, #tpu.memory_space<vmem>>, %arg8: memref<250x80xi32, #tpu.memory_space<vmem>>, %arg9: memref<80x128xf32, #tpu.memory_space<vmem>>, %arg10: memref<10000x128xf32, #tpu.memory_space<vmem_shared>>) attributes {dimension_semantics = [#tpu.dimension_semantics<core_parallel>, #tpu.dimension_semantics<subcore_parallel>], iteration_bounds = array<i64: 2, 16>, scalar_prefetch = 0 : i64, scratch_operands = 4 : i64, tpu.core_type = #tpu.core_type<sc_vector_subcore>, window_params = [{transform_indices = #map}, {transform_indices = #map1}, {transform_indices = #map}, {transform_indices = #map}, {transform_indices = #map}]} {
    %mul3A = arith.constant 320000 : i32
    %mul3A_0 = arith.muli %arg0, %mul3A : i32
    %mul3A_1 = arith.constant 20000 : i32
    %mul3A_2 = arith.muli %arg1, %mul3A_1 : i32
    %add3A = arith.addi %mul3A_0, %mul3A_2 : i32
    "tpu.region"() ({
      %run_scoped3A = tpu.sem_alloc : memref<!tpu.dma_semaphore, #tpu.memory_space<semaphore_mem>>
      %dma_start3A = tpu.memref_slice %arg3[%add3A] : memref<640000xi32, #tpu.memory_space<hbm>> -> memref<20000xi32, #tpu.memory_space<hbm>>
      %dma_start3A_19 = tpu.memref_slice %arg3[%add3A] : memref<640000xi32, #tpu.memory_space<hbm>> -> memref<20000xi32, #tpu.memory_space<hbm>>
      tpu.enqueue_dma source(%dma_start3A_19 : memref<20000xi32, #tpu.memory_space<hbm>>) target(%arg7 : memref<20000xi32, #tpu.memory_space<vmem>>) target_semaphore(%run_scoped3A : memref<!tpu.dma_semaphore, #tpu.memory_space<semaphore_mem>>)
      %dma_wait3A = tpu.memref_slice %arg3[%add3A] : memref<640000xi32, #tpu.memory_space<hbm>> -> memref<20000xi32, #tpu.memory_space<hbm>>
      %dma_wait3A_20 = tpu.memref_slice %arg3[%add3A] : memref<640000xi32, #tpu.memory_space<hbm>> -> memref<20000xi32, #tpu.memory_space<hbm>>
      tpu.wait_dma2 semaphore(%run_scoped3A : memref<!tpu.dma_semaphore, #tpu.memory_space<semaphore_mem>>) src(%dma_wait3A_20 : memref<20000xi32, #tpu.memory_space<hbm>>) dst(%arg7 : memref<20000xi32, #tpu.memory_space<vmem>>)
      tpu.yield
    }) : () -> ()
    %mul3A_3 = arith.constant 4000 : i32
    %mul3A_4 = arith.muli %arg0, %mul3A_3 : i32
    %mul3A_5 = arith.constant 250 : i32
    %mul3A_6 = arith.muli %arg1, %mul3A_5 : i32
    %add3A_7 = arith.addi %mul3A_4, %mul3A_6 : i32
    "tpu.region"() ({
      %run_scoped3A = tpu.sem_alloc : memref<!tpu.dma_semaphore, #tpu.memory_space<semaphore_mem>>
      %dma_start3A = arith.constant 0 : i32
      %dma_start3A_19 = tpu.memref_slice %arg4[%add3A_7, %dma_start3A] : memref<8000x80xi32, #tpu.memory_space<hbm>> -> memref<250x80xi32, #tpu.memory_space<hbm>>
      %dma_start3A_20 = arith.constant 0 : i32
      %dma_start3A_21 = tpu.memref_slice %arg4[%add3A_7, %dma_start3A_20] : memref<8000x80xi32, #tpu.memory_space<hbm>> -> memref<250x80xi32, #tpu.memory_space<hbm>>
      tpu.enqueue_dma source(%dma_start3A_21 : memref<250x80xi32, #tpu.memory_space<hbm>>) target(%arg8 : memref<250x80xi32, #tpu.memory_space<vmem>>) target_semaphore(%run_scoped3A : memref<!tpu.dma_semaphore, #tpu.memory_space<semaphore_mem>>)
      %dma_wait3A = arith.constant 0 : i32
      %dma_wait3A_22 = tpu.memref_slice %arg4[%add3A_7, %dma_wait3A] : memref<8000x80xi32, #tpu.memory_space<hbm>> -> memref<250x80xi32, #tpu.memory_space<hbm>>
      %dma_wait3A_23 = arith.constant 0 : i32
      %dma_wait3A_24 = tpu.memref_slice %arg4[%add3A_7, %dma_wait3A_23] : memref<8000x80xi32, #tpu.memory_space<hbm>> -> memref<250x80xi32, #tpu.memory_space<hbm>>
      tpu.wait_dma2 semaphore(%run_scoped3A : memref<!tpu.dma_semaphore, #tpu.memory_space<semaphore_mem>>) src(%dma_wait3A_24 : memref<250x80xi32, #tpu.memory_space<hbm>>) dst(%arg8 : memref<250x80xi32, #tpu.memory_space<vmem>>)
      tpu.yield
    }) : () -> ()
    %mul3A_8 = arith.constant 625 : i32
    %mul3A_9 = arith.muli %arg1, %mul3A_8 : i32
    "tpu.region"() ({
      %run_scoped3A = tpu.sem_alloc : memref<!tpu.dma_semaphore, #tpu.memory_space<semaphore_mem>>
      %dma_start3A = arith.constant 0 : i32
      %dma_start3A_19 = tpu.memref_slice %arg10[%mul3A_9, %dma_start3A] : memref<10000x128xf32, #tpu.memory_space<vmem_shared>> -> memref<625x128xf32, #tpu.memory_space<vmem_shared>>
      %dma_start3A_20 = arith.constant 0 : i32
      %dma_start3A_21 = tpu.memref_slice %arg5[%mul3A_9, %dma_start3A_20] : memref<10000x128xf32, #tpu.memory_space<hbm>> -> memref<625x128xf32, #tpu.memory_space<hbm>>
      tpu.enqueue_dma source(%dma_start3A_21 : memref<625x128xf32, #tpu.memory_space<hbm>>) target(%dma_start3A_19 : memref<625x128xf32, #tpu.memory_space<vmem_shared>>) target_semaphore(%run_scoped3A : memref<!tpu.dma_semaphore, #tpu.memory_space<semaphore_mem>>)
      %dma_wait3A = arith.constant 0 : i32
      %dma_wait3A_22 = tpu.memref_slice %arg10[%mul3A_9, %dma_wait3A] : memref<10000x128xf32, #tpu.memory_space<vmem_shared>> -> memref<625x128xf32, #tpu.memory_space<vmem_shared>>
      %dma_wait3A_23 = arith.constant 0 : i32
      %dma_wait3A_24 = tpu.memref_slice %arg5[%mul3A_9, %dma_wait3A_23] : memref<10000x128xf32, #tpu.memory_space<hbm>> -> memref<625x128xf32, #tpu.memory_space<hbm>>
      tpu.wait_dma2 semaphore(%run_scoped3A : memref<!tpu.dma_semaphore, #tpu.memory_space<semaphore_mem>>) src(%dma_wait3A_24 : memref<625x128xf32, #tpu.memory_space<hbm>>) dst(%dma_wait3A_22 : memref<625x128xf32, #tpu.memory_space<vmem_shared>>)
      tpu.yield
    }) : () -> ()
    %barrier3A = arith.constant 0 : index
    tpu.barrier barrier_id(%barrier3A)
    %scan3A = arith.constant 0 : i32
    %scan3A_10 = arith.constant 0 : i32
    %scan3A_11 = arith.constant 250 : i32
    %scan3A_12 = arith.addi %scan3A_10, %scan3A_11 : i32
    %scan3A_13 = arith.constant 1 : i32
    scf.for %scan3A_19 = %scan3A_10 to %scan3A_12 step %scan3A_13  : i32 {
      %mul3A_20 = arith.constant 80 : i32
      %mul3A_21 = arith.muli %scan3A_19, %mul3A_20 : i32
      "tpu.region"() ({
        %run_scoped3A = tpu.sem_alloc : memref<!tpu.dma_semaphore, #tpu.memory_space<semaphore_mem>>
        %dma_start3A = tpu.memref_slice %arg7[%mul3A_21] : memref<20000xi32, #tpu.memory_space<vmem>> -> memref<80xi32, #tpu.memory_space<vmem>>
        %dma_start3A_22 = arith.constant 0 : i32
        %dma_start3A_23 = arith.constant 0 : i32
        %dma_start3A_24 = tpu.memref_slice %arg2[%dma_start3A_22, %dma_start3A_23] : memref<20000x128xf32, #tpu.memory_space<hbm>> -> memref<20000x128xf32, #tpu.memory_space<hbm>>
        tpu.enqueue_indirect_dma source(%dma_start3A_24 : memref<20000x128xf32, #tpu.memory_space<hbm>>) target(%arg9 : memref<80x128xf32, #tpu.memory_space<vmem>>) offsets(%dma_start3A : memref<80xi32, #tpu.memory_space<vmem>>) semaphore(%run_scoped3A : memref<!tpu.dma_semaphore, #tpu.memory_space<semaphore_mem>>)
        %dma_wait3A = tpu.memref_slice %arg7[%mul3A_21] : memref<20000xi32, #tpu.memory_space<vmem>> -> memref<80xi32, #tpu.memory_space<vmem>>
        %dma_wait3A_25 = arith.constant 0 : i32
        %dma_wait3A_26 = arith.constant 0 : i32
        %dma_wait3A_27 = tpu.memref_slice %arg2[%dma_wait3A_25, %dma_wait3A_26] : memref<20000x128xf32, #tpu.memory_space<hbm>> -> memref<20000x128xf32, #tpu.memory_space<hbm>>
        tpu.wait_indirect_dma semaphore(%run_scoped3A : memref<!tpu.dma_semaphore, #tpu.memory_space<semaphore_mem>>) src(%dma_wait3A_27 : memref<20000x128xf32, #tpu.memory_space<hbm>>) dst(%arg9 : memref<80x128xf32, #tpu.memory_space<vmem>>)
        tpu.yield
      }) : () -> ()
      "tpu.region"() ({
        %run_scoped3A = tpu.sem_alloc : memref<!tpu.dma_semaphore, #tpu.memory_space<semaphore_mem>>
        %dma_start3A = arith.constant 0 : i32
        %dma_start3A_22 = tpu.memref_slice %arg8[%scan3A_19, %dma_start3A] : memref<250x80xi32, #tpu.memory_space<vmem>> -> memref<1x80xi32, #tpu.memory_space<vmem>>
        %dma_start3A_23 = tpu.memref_squeeze %dma_start3A_22 : memref<1x80xi32, #tpu.memory_space<vmem>> -> memref<80xi32, #tpu.memory_space<vmem>>
        %dma_start3A_24 = arith.constant 0 : i32
        %dma_start3A_25 = arith.constant 0 : i32
        %dma_start3A_26 = tpu.memref_slice %arg10[%dma_start3A_24, %dma_start3A_25] : memref<10000x128xf32, #tpu.memory_space<vmem_shared>> -> memref<10000x128xf32, #tpu.memory_space<vmem_shared>>
        tpu.enqueue_indirect_dma source(%arg9 : memref<80x128xf32, #tpu.memory_space<vmem>>) target(%dma_start3A_26 : memref<10000x128xf32, #tpu.memory_space<vmem_shared>>) offsets(%dma_start3A_23 : memref<80xi32, #tpu.memory_space<vmem>>) semaphore(%run_scoped3A : memref<!tpu.dma_semaphore, #tpu.memory_space<semaphore_mem>>) {add = true}
        %dma_wait3A = arith.constant 0 : i32
        %dma_wait3A_27 = tpu.memref_slice %arg8[%scan3A_19, %dma_wait3A] : memref<250x80xi32, #tpu.memory_space<vmem>> -> memref<1x80xi32, #tpu.memory_space<vmem>>
        %dma_wait3A_28 = tpu.memref_squeeze %dma_wait3A_27 : memref<1x80xi32, #tpu.memory_space<vmem>> -> memref<80xi32, #tpu.memory_space<vmem>>
        %dma_wait3A_29 = arith.constant 0 : i32
        %dma_wait3A_30 = arith.constant 0 : i32
        %dma_wait3A_31 = tpu.memref_slice %arg10[%dma_wait3A_29, %dma_wait3A_30] : memref<10000x128xf32, #tpu.memory_space<vmem_shared>> -> memref<10000x128xf32, #tpu.memory_space<vmem_shared>>
        tpu.wait_indirect_dma semaphore(%run_scoped3A : memref<!tpu.dma_semaphore, #tpu.memory_space<semaphore_mem>>) src(%arg9 : memref<80x128xf32, #tpu.memory_space<vmem>>) dst(%dma_wait3A_31 : memref<10000x128xf32, #tpu.memory_space<vmem_shared>>)
        tpu.yield
      }) : () -> ()
    }
    %scan3A_14 = arith.constant 250 : i32
    %barrier3A_15 = arith.constant 0 : index
    tpu.barrier barrier_id(%barrier3A_15)
    %mul3A_16 = arith.constant 10000 : i32
    %mul3A_17 = arith.muli %arg0, %mul3A_16 : i32
    %add3A_18 = arith.addi %mul3A_17, %mul3A_9 : i32
    "tpu.region"() ({
      %run_scoped3A = tpu.sem_alloc : memref<!tpu.dma_semaphore, #tpu.memory_space<semaphore_mem>>
      %dma_start3A = arith.constant 0 : i32
      %dma_start3A_19 = tpu.memref_slice %arg6[%add3A_18, %dma_start3A] : memref<20000x128xf32, #tpu.memory_space<hbm>> -> memref<625x128xf32, #tpu.memory_space<hbm>>
      %dma_start3A_20 = arith.constant 0 : i32
      %dma_start3A_21 = tpu.memref_slice %arg10[%mul3A_9, %dma_start3A_20] : memref<10000x128xf32, #tpu.memory_space<vmem_shared>> -> memref<625x128xf32, #tpu.memory_space<vmem_shared>>
      tpu.enqueue_dma source(%dma_start3A_21 : memref<625x128xf32, #tpu.memory_space<vmem_shared>>) target(%dma_start3A_19 : memref<625x128xf32, #tpu.memory_space<hbm>>) target_semaphore(%run_scoped3A : memref<!tpu.dma_semaphore, #tpu.memory_space<semaphore_mem>>)
      %dma_wait3A = arith.constant 0 : i32
      %dma_wait3A_22 = tpu.memref_slice %arg6[%add3A_18, %dma_wait3A] : memref<20000x128xf32, #tpu.memory_space<hbm>> -> memref<625x128xf32, #tpu.memory_space<hbm>>
      %dma_wait3A_23 = arith.constant 0 : i32
      %dma_wait3A_24 = tpu.memref_slice %arg10[%mul3A_9, %dma_wait3A_23] : memref<10000x128xf32, #tpu.memory_space<vmem_shared>> -> memref<625x128xf32, #tpu.memory_space<vmem_shared>>
      tpu.wait_dma2 semaphore(%run_scoped3A : memref<!tpu.dma_semaphore, #tpu.memory_space<semaphore_mem>>) src(%dma_wait3A_24 : memref<625x128xf32, #tpu.memory_space<vmem_shared>>) dst(%dma_wait3A_22 : memref<625x128xf32, #tpu.memory_space<hbm>>)
      tpu.yield
    }) : () -> ()
    return
  }
}

#map = affine_map<(d0, d1) -> (0, 0)>
#map1 = affine_map<(d0, d1) -> (0)>
module attributes {stable_mosaic.version = 14 : i64} {
  func.func @conv(%arg0: i32, %arg1: i32, %arg2: memref<20000x64xf32, #tpu.memory_space<hbm>>, %arg3: memref<640000xi32, #tpu.memory_space<hbm>>, %arg4: memref<8000x80xi32, #tpu.memory_space<hbm>>, %arg5: memref<10000x64xf32, #tpu.memory_space<hbm>>, %arg6: memref<20000x64xf32, #tpu.memory_space<hbm>>, %arg7: memref<20000xi32, #tpu.memory_space<vmem>>, %arg8: memref<250x80xi32, #tpu.memory_space<vmem>>, %arg9: memref<80x64xf32, #tpu.memory_space<vmem>>, %arg10: memref<10000x64xf32, #tpu.memory_space<vmem_shared>>) attributes {dimension_semantics = [#tpu.dimension_semantics<core_parallel>, #tpu.dimension_semantics<subcore_parallel>], iteration_bounds = array<i64: 2, 16>, scalar_prefetch = 0 : i64, scratch_operands = 4 : i64, tpu.core_type = #tpu.core_type<sc_vector_subcore>, window_params = [{transform_indices = #map}, {transform_indices = #map1}, {transform_indices = #map}, {transform_indices = #map}, {transform_indices = #map}]} {
    %mul3A = arith.constant 320000 : i32
    %mul3A_0 = arith.muli %arg0, %mul3A : i32
    %mul3A_1 = arith.constant 20000 : i32
    %mul3A_2 = arith.muli %arg1, %mul3A_1 : i32
    %add3A = arith.addi %mul3A_0, %mul3A_2 : i32
    "tpu.region"() ({
      %run_scoped3A = tpu.sem_alloc : memref<!tpu.dma_semaphore, #tpu.memory_space<semaphore_mem>>
      %dma_start3A = tpu.memref_slice %arg3[%add3A] : memref<640000xi32, #tpu.memory_space<hbm>> -> memref<20000xi32, #tpu.memory_space<hbm>>
      %dma_start3A_19 = tpu.memref_slice %arg3[%add3A] : memref<640000xi32, #tpu.memory_space<hbm>> -> memref<20000xi32, #tpu.memory_space<hbm>>
      tpu.enqueue_dma source(%dma_start3A_19 : memref<20000xi32, #tpu.memory_space<hbm>>) target(%arg7 : memref<20000xi32, #tpu.memory_space<vmem>>) target_semaphore(%run_scoped3A : memref<!tpu.dma_semaphore, #tpu.memory_space<semaphore_mem>>)
      %dma_wait3A = tpu.memref_slice %arg3[%add3A] : memref<640000xi32, #tpu.memory_space<hbm>> -> memref<20000xi32, #tpu.memory_space<hbm>>
      %dma_wait3A_20 = tpu.memref_slice %arg3[%add3A] : memref<640000xi32, #tpu.memory_space<hbm>> -> memref<20000xi32, #tpu.memory_space<hbm>>
      tpu.wait_dma2 semaphore(%run_scoped3A : memref<!tpu.dma_semaphore, #tpu.memory_space<semaphore_mem>>) src(%dma_wait3A_20 : memref<20000xi32, #tpu.memory_space<hbm>>) dst(%arg7 : memref<20000xi32, #tpu.memory_space<vmem>>)
      tpu.yield
    }) : () -> ()
    %mul3A_3 = arith.constant 4000 : i32
    %mul3A_4 = arith.muli %arg0, %mul3A_3 : i32
    %mul3A_5 = arith.constant 250 : i32
    %mul3A_6 = arith.muli %arg1, %mul3A_5 : i32
    %add3A_7 = arith.addi %mul3A_4, %mul3A_6 : i32
    "tpu.region"() ({
      %run_scoped3A = tpu.sem_alloc : memref<!tpu.dma_semaphore, #tpu.memory_space<semaphore_mem>>
      %dma_start3A = arith.constant 0 : i32
      %dma_start3A_19 = tpu.memref_slice %arg4[%add3A_7, %dma_start3A] : memref<8000x80xi32, #tpu.memory_space<hbm>> -> memref<250x80xi32, #tpu.memory_space<hbm>>
      %dma_start3A_20 = arith.constant 0 : i32
      %dma_start3A_21 = tpu.memref_slice %arg4[%add3A_7, %dma_start3A_20] : memref<8000x80xi32, #tpu.memory_space<hbm>> -> memref<250x80xi32, #tpu.memory_space<hbm>>
      tpu.enqueue_dma source(%dma_start3A_21 : memref<250x80xi32, #tpu.memory_space<hbm>>) target(%arg8 : memref<250x80xi32, #tpu.memory_space<vmem>>) target_semaphore(%run_scoped3A : memref<!tpu.dma_semaphore, #tpu.memory_space<semaphore_mem>>)
      %dma_wait3A = arith.constant 0 : i32
      %dma_wait3A_22 = tpu.memref_slice %arg4[%add3A_7, %dma_wait3A] : memref<8000x80xi32, #tpu.memory_space<hbm>> -> memref<250x80xi32, #tpu.memory_space<hbm>>
      %dma_wait3A_23 = arith.constant 0 : i32
      %dma_wait3A_24 = tpu.memref_slice %arg4[%add3A_7, %dma_wait3A_23] : memref<8000x80xi32, #tpu.memory_space<hbm>> -> memref<250x80xi32, #tpu.memory_space<hbm>>
      tpu.wait_dma2 semaphore(%run_scoped3A : memref<!tpu.dma_semaphore, #tpu.memory_space<semaphore_mem>>) src(%dma_wait3A_24 : memref<250x80xi32, #tpu.memory_space<hbm>>) dst(%arg8 : memref<250x80xi32, #tpu.memory_space<vmem>>)
      tpu.yield
    }) : () -> ()
    %mul3A_8 = arith.constant 625 : i32
    %mul3A_9 = arith.muli %arg1, %mul3A_8 : i32
    "tpu.region"() ({
      %run_scoped3A = tpu.sem_alloc : memref<!tpu.dma_semaphore, #tpu.memory_space<semaphore_mem>>
      %dma_start3A = arith.constant 0 : i32
      %dma_start3A_19 = tpu.memref_slice %arg10[%mul3A_9, %dma_start3A] : memref<10000x64xf32, #tpu.memory_space<vmem_shared>> -> memref<625x64xf32, #tpu.memory_space<vmem_shared>>
      %dma_start3A_20 = arith.constant 0 : i32
      %dma_start3A_21 = tpu.memref_slice %arg5[%mul3A_9, %dma_start3A_20] : memref<10000x64xf32, #tpu.memory_space<hbm>> -> memref<625x64xf32, #tpu.memory_space<hbm>>
      tpu.enqueue_dma source(%dma_start3A_21 : memref<625x64xf32, #tpu.memory_space<hbm>>) target(%dma_start3A_19 : memref<625x64xf32, #tpu.memory_space<vmem_shared>>) target_semaphore(%run_scoped3A : memref<!tpu.dma_semaphore, #tpu.memory_space<semaphore_mem>>)
      %dma_wait3A = arith.constant 0 : i32
      %dma_wait3A_22 = tpu.memref_slice %arg10[%mul3A_9, %dma_wait3A] : memref<10000x64xf32, #tpu.memory_space<vmem_shared>> -> memref<625x64xf32, #tpu.memory_space<vmem_shared>>
      %dma_wait3A_23 = arith.constant 0 : i32
      %dma_wait3A_24 = tpu.memref_slice %arg5[%mul3A_9, %dma_wait3A_23] : memref<10000x64xf32, #tpu.memory_space<hbm>> -> memref<625x64xf32, #tpu.memory_space<hbm>>
      tpu.wait_dma2 semaphore(%run_scoped3A : memref<!tpu.dma_semaphore, #tpu.memory_space<semaphore_mem>>) src(%dma_wait3A_24 : memref<625x64xf32, #tpu.memory_space<hbm>>) dst(%dma_wait3A_22 : memref<625x64xf32, #tpu.memory_space<vmem_shared>>)
      tpu.yield
    }) : () -> ()
    %barrier3A = arith.constant 0 : index
    tpu.barrier barrier_id(%barrier3A)
    %scan3A = arith.constant 0 : i32
    %scan3A_10 = arith.constant 0 : i32
    %scan3A_11 = arith.constant 250 : i32
    %scan3A_12 = arith.addi %scan3A_10, %scan3A_11 : i32
    %scan3A_13 = arith.constant 1 : i32
    scf.for %scan3A_19 = %scan3A_10 to %scan3A_12 step %scan3A_13  : i32 {
      %mul3A_20 = arith.constant 80 : i32
      %mul3A_21 = arith.muli %scan3A_19, %mul3A_20 : i32
      "tpu.region"() ({
        %run_scoped3A = tpu.sem_alloc : memref<!tpu.dma_semaphore, #tpu.memory_space<semaphore_mem>>
        %dma_start3A = tpu.memref_slice %arg7[%mul3A_21] : memref<20000xi32, #tpu.memory_space<vmem>> -> memref<80xi32, #tpu.memory_space<vmem>>
        %dma_start3A_22 = arith.constant 0 : i32
        %dma_start3A_23 = arith.constant 0 : i32
        %dma_start3A_24 = tpu.memref_slice %arg2[%dma_start3A_22, %dma_start3A_23] : memref<20000x64xf32, #tpu.memory_space<hbm>> -> memref<20000x64xf32, #tpu.memory_space<hbm>>
        tpu.enqueue_indirect_dma source(%dma_start3A_24 : memref<20000x64xf32, #tpu.memory_space<hbm>>) target(%arg9 : memref<80x64xf32, #tpu.memory_space<vmem>>) offsets(%dma_start3A : memref<80xi32, #tpu.memory_space<vmem>>) semaphore(%run_scoped3A : memref<!tpu.dma_semaphore, #tpu.memory_space<semaphore_mem>>)
        %dma_wait3A = tpu.memref_slice %arg7[%mul3A_21] : memref<20000xi32, #tpu.memory_space<vmem>> -> memref<80xi32, #tpu.memory_space<vmem>>
        %dma_wait3A_25 = arith.constant 0 : i32
        %dma_wait3A_26 = arith.constant 0 : i32
        %dma_wait3A_27 = tpu.memref_slice %arg2[%dma_wait3A_25, %dma_wait3A_26] : memref<20000x64xf32, #tpu.memory_space<hbm>> -> memref<20000x64xf32, #tpu.memory_space<hbm>>
        tpu.wait_indirect_dma semaphore(%run_scoped3A : memref<!tpu.dma_semaphore, #tpu.memory_space<semaphore_mem>>) src(%dma_wait3A_27 : memref<20000x64xf32, #tpu.memory_space<hbm>>) dst(%arg9 : memref<80x64xf32, #tpu.memory_space<vmem>>)
        tpu.yield
      }) : () -> ()
      "tpu.region"() ({
        %run_scoped3A = tpu.sem_alloc : memref<!tpu.dma_semaphore, #tpu.memory_space<semaphore_mem>>
        %dma_start3A = arith.constant 0 : i32
        %dma_start3A_22 = tpu.memref_slice %arg8[%scan3A_19, %dma_start3A] : memref<250x80xi32, #tpu.memory_space<vmem>> -> memref<1x80xi32, #tpu.memory_space<vmem>>
        %dma_start3A_23 = tpu.memref_squeeze %dma_start3A_22 : memref<1x80xi32, #tpu.memory_space<vmem>> -> memref<80xi32, #tpu.memory_space<vmem>>
        %dma_start3A_24 = arith.constant 0 : i32
        %dma_start3A_25 = arith.constant 0 : i32
        %dma_start3A_26 = tpu.memref_slice %arg10[%dma_start3A_24, %dma_start3A_25] : memref<10000x64xf32, #tpu.memory_space<vmem_shared>> -> memref<10000x64xf32, #tpu.memory_space<vmem_shared>>
        tpu.enqueue_indirect_dma source(%arg9 : memref<80x64xf32, #tpu.memory_space<vmem>>) target(%dma_start3A_26 : memref<10000x64xf32, #tpu.memory_space<vmem_shared>>) offsets(%dma_start3A_23 : memref<80xi32, #tpu.memory_space<vmem>>) semaphore(%run_scoped3A : memref<!tpu.dma_semaphore, #tpu.memory_space<semaphore_mem>>) {add = true}
        %dma_wait3A = arith.constant 0 : i32
        %dma_wait3A_27 = tpu.memref_slice %arg8[%scan3A_19, %dma_wait3A] : memref<250x80xi32, #tpu.memory_space<vmem>> -> memref<1x80xi32, #tpu.memory_space<vmem>>
        %dma_wait3A_28 = tpu.memref_squeeze %dma_wait3A_27 : memref<1x80xi32, #tpu.memory_space<vmem>> -> memref<80xi32, #tpu.memory_space<vmem>>
        %dma_wait3A_29 = arith.constant 0 : i32
        %dma_wait3A_30 = arith.constant 0 : i32
        %dma_wait3A_31 = tpu.memref_slice %arg10[%dma_wait3A_29, %dma_wait3A_30] : memref<10000x64xf32, #tpu.memory_space<vmem_shared>> -> memref<10000x64xf32, #tpu.memory_space<vmem_shared>>
        tpu.wait_indirect_dma semaphore(%run_scoped3A : memref<!tpu.dma_semaphore, #tpu.memory_space<semaphore_mem>>) src(%arg9 : memref<80x64xf32, #tpu.memory_space<vmem>>) dst(%dma_wait3A_31 : memref<10000x64xf32, #tpu.memory_space<vmem_shared>>)
        tpu.yield
      }) : () -> ()
    }
    %scan3A_14 = arith.constant 250 : i32
    %barrier3A_15 = arith.constant 0 : index
    tpu.barrier barrier_id(%barrier3A_15)
    %mul3A_16 = arith.constant 10000 : i32
    %mul3A_17 = arith.muli %arg0, %mul3A_16 : i32
    %add3A_18 = arith.addi %mul3A_17, %mul3A_9 : i32
    "tpu.region"() ({
      %run_scoped3A = tpu.sem_alloc : memref<!tpu.dma_semaphore, #tpu.memory_space<semaphore_mem>>
      %dma_start3A = arith.constant 0 : i32
      %dma_start3A_19 = tpu.memref_slice %arg6[%add3A_18, %dma_start3A] : memref<20000x64xf32, #tpu.memory_space<hbm>> -> memref<625x64xf32, #tpu.memory_space<hbm>>
      %dma_start3A_20 = arith.constant 0 : i32
      %dma_start3A_21 = tpu.memref_slice %arg10[%mul3A_9, %dma_start3A_20] : memref<10000x64xf32, #tpu.memory_space<vmem_shared>> -> memref<625x64xf32, #tpu.memory_space<vmem_shared>>
      tpu.enqueue_dma source(%dma_start3A_21 : memref<625x64xf32, #tpu.memory_space<vmem_shared>>) target(%dma_start3A_19 : memref<625x64xf32, #tpu.memory_space<hbm>>) target_semaphore(%run_scoped3A : memref<!tpu.dma_semaphore, #tpu.memory_space<semaphore_mem>>)
      %dma_wait3A = arith.constant 0 : i32
      %dma_wait3A_22 = tpu.memref_slice %arg6[%add3A_18, %dma_wait3A] : memref<20000x64xf32, #tpu.memory_space<hbm>> -> memref<625x64xf32, #tpu.memory_space<hbm>>
      %dma_wait3A_23 = arith.constant 0 : i32
      %dma_wait3A_24 = tpu.memref_slice %arg10[%mul3A_9, %dma_wait3A_23] : memref<10000x64xf32, #tpu.memory_space<vmem_shared>> -> memref<625x64xf32, #tpu.memory_space<vmem_shared>>
      tpu.wait_dma2 semaphore(%run_scoped3A : memref<!tpu.dma_semaphore, #tpu.memory_space<semaphore_mem>>) src(%dma_wait3A_24 : memref<625x64xf32, #tpu.memory_space<vmem_shared>>) dst(%dma_wait3A_22 : memref<625x64xf32, #tpu.memory_space<hbm>>)
      tpu.yield
    }) : () -> ()
    return
  }
}

module attributes {stable_mosaic.version = 14 : i64} {
  func.func @_tc1_body(%arg0: i32, %arg1: memref<1000x128xf32, #tpu.memory_space<vmem>>, %arg2: memref<1000x128xf32, #tpu.memory_space<vmem>>, %arg3: memref<128x128xf32, #tpu.memory_space<vmem>>, %arg4: memref<128x128xf32, #tpu.memory_space<vmem>>, %arg5: memref<1000x16xf32, #tpu.memory_space<vmem>>, %arg6: memref<1000x16xf32, #tpu.memory_space<vmem>>, %arg7: memref<1000x128xf32, #tpu.memory_space<vmem>>, %arg8: memref<1000x128xf32, #tpu.memory_space<vmem>>) attributes {dimension_semantics = [#tpu.dimension_semantics<arbitrary>], iteration_bounds = array<i64: 10>, scalar_prefetch = 0 : i64, scratch_operands = 0 : i64, tpu.core_type = #tpu.core_type<tc>, window_params = [{transform_indices = @transform_0, window_bounds = array<i64: 1000, 128>}, {transform_indices = @transform_1, window_bounds = array<i64: 1000, 128>}, {pipeline_mode = #tpu.pipeline_mode<synchronous>, transform_indices = @transform_2, window_bounds = array<i64: 128, 128>}, {pipeline_mode = #tpu.pipeline_mode<synchronous>, transform_indices = @transform_3, window_bounds = array<i64: 128, 128>}, {transform_indices = @transform_4, window_bounds = array<i64: 1000, 16>}, {transform_indices = @transform_5, window_bounds = array<i64: 1000, 16>}, {transform_indices = @transform_6, window_bounds = array<i64: 1000, 128>}, {transform_indices = @transform_7, window_bounds = array<i64: 1000, 128>}]} {
    %get3A = arith.constant 0 : index
    %get3A_0 = arith.constant 0 : index
    %get3A_1 = vector.load %arg1[%get3A, %get3A_0] : memref<1000x128xf32, #tpu.memory_space<vmem>>, vector<1000x128xf32>
    %get3A_2 = arith.constant 0 : index
    %get3A_3 = arith.constant 0 : index
    %get3A_4 = vector.load %arg3[%get3A_2, %get3A_3] : memref<128x128xf32, #tpu.memory_space<vmem>>, vector<128x128xf32>
    %dot_general3A = arith.constant dense<0.000000e+00> : vector<1000x128xf32>
    %dot_general3A_5 = tpu.matmul %get3A_1, %get3A_4, %dot_general3A {dimension_numbers = #tpu.dot_dimension_numbers<[1], [0], [0], [1], [0, 0, 1, 1], [], []>, transpose_lhs_hint = false} : vector<1000x128xf32>, vector<128x128xf32>, vector<1000x128xf32> -> vector<1000x128xf32>
    %get3A_6 = arith.constant 0 : index
    %get3A_7 = arith.constant 0 : index
    %get3A_8 = vector.load %arg5[%get3A_6, %get3A_7] : memref<1000x16xf32, #tpu.memory_space<vmem>>, vector<1000x16xf32>
    %slice3A = vector.extract_strided_slice %get3A_8 {offsets = [0, 0], sizes = [1000, 1], strides = [1, 1]} : vector<1000x16xf32> to vector<1000x1xf32>
    %add3A = arith.constant 1.000000e+00 : f32
    %add3A_9 = vector.broadcast %add3A : f32 to vector<1000x1xf32>
    %add3A_10 = arith.addf %slice3A, %add3A_9 : vector<1000x1xf32>
    %rsqrt3A = math.rsqrt %add3A_10 : vector<1000x1xf32>
    %mul3A = vector.broadcast %rsqrt3A : vector<1000x1xf32> to vector<1000x128xf32>
    %mul3A_11 = arith.mulf %dot_general3A_5, %mul3A : vector<1000x128xf32>
    %swap3A = arith.constant 0 : index
    %swap3A_12 = arith.constant 0 : index
    %swap3A_13 = vector.load %arg7[%swap3A, %swap3A_12] : memref<1000x128xf32, #tpu.memory_space<vmem>>, vector<1000x128xf32>
    tpu.vector_store %arg7[%swap3A, %swap3A_12], %mul3A_11 {strides = array<i32>} : memref<1000x128xf32, #tpu.memory_space<vmem>>, vector<1000x128xf32>,
    %get3A_14 = arith.constant 0 : index
    %get3A_15 = arith.constant 0 : index
    %get3A_16 = vector.load %arg2[%get3A_14, %get3A_15] : memref<1000x128xf32, #tpu.memory_space<vmem>>, vector<1000x128xf32>
    %get3A_17 = arith.constant 0 : index
    %get3A_18 = arith.constant 0 : index
    %get3A_19 = vector.load %arg4[%get3A_17, %get3A_18] : memref<128x128xf32, #tpu.memory_space<vmem>>, vector<128x128xf32>
    %dot_general3A_20 = arith.constant dense<0.000000e+00> : vector<1000x128xf32>
    %dot_general3A_21 = tpu.matmul %get3A_16, %get3A_19, %dot_general3A_20 {dimension_numbers = #tpu.dot_dimension_numbers<[1], [0], [0], [1], [0, 0, 1, 1], [], []>, transpose_lhs_hint = false} : vector<1000x128xf32>, vector<128x128xf32>, vector<1000x128xf32> -> vector<1000x128xf32>
    %get3A_22 = arith.constant 0 : index
    %get3A_23 = arith.constant 0 : index
    %get3A_24 = vector.load %arg6[%get3A_22, %get3A_23] : memref<1000x16xf32, #tpu.memory_space<vmem>>, vector<1000x16xf32>
    %slice3A_25 = vector.extract_strided_slice %get3A_24 {offsets = [0, 0], sizes = [1000, 1], strides = [1, 1]} : vector<1000x16xf32> to vector<1000x1xf32>
    %add3A_26 = arith.constant 1.000000e+00 : f32
    %add3A_27 = vector.broadcast %add3A_26 : f32 to vector<1000x1xf32>
    %add3A_28 = arith.addf %slice3A_25, %add3A_27 : vector<1000x1xf32>
    %rsqrt3A_29 = math.rsqrt %add3A_28 : vector<1000x1xf32>
    %mul3A_30 = vector.broadcast %rsqrt3A_29 : vector<1000x1xf32> to vector<1000x128xf32>
    %mul3A_31 = arith.mulf %dot_general3A_21, %mul3A_30 : vector<1000x128xf32>
    %swap3A_32 = arith.constant 0 : index
    %swap3A_33 = arith.constant 0 : index
    %swap3A_34 = vector.load %arg8[%swap3A_32, %swap3A_33] : memref<1000x128xf32, #tpu.memory_space<vmem>>, vector<1000x128xf32>
    tpu.vector_store %arg8[%swap3A_32, %swap3A_33], %mul3A_31 {strides = array<i32>} : memref<1000x128xf32, #tpu.memory_space<vmem>>, vector<1000x128xf32>,
    return
  }
  func.func @transform_0(%arg0: i32) -> (i32, i32) {
    %c0_i32 = arith.constant 0 : i32
    %c0_i32_0 = arith.constant 0 : i32
    return %arg0, %c0_i32 : i32, i32
  }
  func.func @transform_1(%arg0: i32) -> (i32, i32) {
    %c0_i32 = arith.constant 0 : i32
    %c0_i32_0 = arith.constant 0 : i32
    return %arg0, %c0_i32 : i32, i32
  }
  func.func @transform_2(%arg0: i32) -> (i32, i32) {
    %c0_i32 = arith.constant 0 : i32
    %c0_i32_0 = arith.constant 0 : i32
    %c0_i32_1 = arith.constant 0 : i32
    return %c0_i32, %c0_i32_0 : i32, i32
  }
  func.func @transform_3(%arg0: i32) -> (i32, i32) {
    %c0_i32 = arith.constant 0 : i32
    %c0_i32_0 = arith.constant 0 : i32
    %c0_i32_1 = arith.constant 0 : i32
    return %c0_i32, %c0_i32_0 : i32, i32
  }
  func.func @transform_4(%arg0: i32) -> (i32, i32) {
    %c0_i32 = arith.constant 0 : i32
    %c0_i32_0 = arith.constant 0 : i32
    return %arg0, %c0_i32 : i32, i32
  }
  func.func @transform_5(%arg0: i32) -> (i32, i32) {
    %c0_i32 = arith.constant 0 : i32
    %c0_i32_0 = arith.constant 0 : i32
    return %arg0, %c0_i32 : i32, i32
  }
  func.func @transform_6(%arg0: i32) -> (i32, i32) {
    %c0_i32 = arith.constant 0 : i32
    %c0_i32_0 = arith.constant 0 : i32
    return %arg0, %c0_i32 : i32, i32
  }
  func.func @transform_7(%arg0: i32) -> (i32, i32) {
    %c0_i32 = arith.constant 0 : i32
    %c0_i32_0 = arith.constant 0 : i32
    return %arg0, %c0_i32 : i32, i32
  }
}

module attributes {stable_mosaic.version = 14 : i64} {
  func.func @body(%arg0: i32, %arg1: memref<1000x128xf32, #tpu.memory_space<vmem>>, %arg2: memref<1000x128xf32, #tpu.memory_space<vmem>>, %arg3: memref<1000x128xf32, #tpu.memory_space<vmem>>, %arg4: memref<1000x128xf32, #tpu.memory_space<vmem>>, %arg5: memref<1000x16xf32, #tpu.memory_space<vmem>>, %arg6: memref<1000x16xf32, #tpu.memory_space<vmem>>, %arg7: memref<1000x128xf32, #tpu.memory_space<vmem>>, %arg8: memref<1000x128xf32, #tpu.memory_space<vmem>>, %arg9: memref<1x2x2x128xf32, #tpu.memory_space<vmem>>) attributes {dimension_semantics = [#tpu.dimension_semantics<arbitrary>], iteration_bounds = array<i64: 10>, scalar_prefetch = 0 : i64, scratch_operands = 0 : i64, tpu.core_type = #tpu.core_type<tc>, window_params = [{transform_indices = @transform_0, window_bounds = array<i64: 1000, 128>}, {transform_indices = @transform_1, window_bounds = array<i64: 1000, 128>}, {transform_indices = @transform_2, window_bounds = array<i64: 1000, 128>}, {transform_indices = @transform_3, window_bounds = array<i64: 1000, 128>}, {transform_indices = @transform_4, window_bounds = array<i64: 1000, 16>}, {transform_indices = @transform_5, window_bounds = array<i64: 1000, 16>}, {transform_indices = @transform_6, window_bounds = array<i64: 1000, 128>}, {transform_indices = @transform_7, window_bounds = array<i64: 1000, 128>}, {transform_indices = @transform_8, window_bounds = array<i64: 1, 2, 2, 128>}]} {
    %get3A = arith.constant 0 : index
    %get3A_0 = arith.constant 0 : index
    %get3A_1 = vector.load %arg5[%get3A, %get3A_0] : memref<1000x16xf32, #tpu.memory_space<vmem>>, vector<1000x16xf32>
    %slice3A = vector.extract_strided_slice %get3A_1 {offsets = [0, 0], sizes = [1000, 1], strides = [1, 1]} : vector<1000x16xf32> to vector<1000x1xf32>
    %add3A = arith.constant 1.000000e+00 : f32
    %add3A_2 = vector.broadcast %add3A : f32 to vector<1000x1xf32>
    %add3A_3 = arith.addf %slice3A, %add3A_2 : vector<1000x1xf32>
    %rsqrt3A = math.rsqrt %add3A_3 : vector<1000x1xf32>
    %get3A_4 = arith.constant 0 : index
    %get3A_5 = arith.constant 0 : index
    %get3A_6 = vector.load %arg1[%get3A_4, %get3A_5] : memref<1000x128xf32, #tpu.memory_space<vmem>>, vector<1000x128xf32>
    %get3A_7 = arith.constant 0 : index
    %get3A_8 = arith.constant 0 : index
    %get3A_9 = vector.load %arg3[%get3A_7, %get3A_8] : memref<1000x128xf32, #tpu.memory_space<vmem>>, vector<1000x128xf32>
    %add3A_10 = arith.addf %get3A_6, %get3A_9 : vector<1000x128xf32>
    %mul3A = vector.broadcast %rsqrt3A : vector<1000x1xf32> to vector<1000x128xf32>
    %mul3A_11 = arith.mulf %mul3A, %add3A_10 : vector<1000x128xf32>
    %get3A_12 = arith.constant 0 : index
    %get3A_13 = arith.constant 0 : index
    %get3A_14 = vector.load %arg6[%get3A_12, %get3A_13] : memref<1000x16xf32, #tpu.memory_space<vmem>>, vector<1000x16xf32>
    %slice3A_15 = vector.extract_strided_slice %get3A_14 {offsets = [0, 0], sizes = [1000, 1], strides = [1, 1]} : vector<1000x16xf32> to vector<1000x1xf32>
    %add3A_16 = arith.constant 1.000000e+00 : f32
    %add3A_17 = vector.broadcast %add3A_16 : f32 to vector<1000x1xf32>
    %add3A_18 = arith.addf %slice3A_15, %add3A_17 : vector<1000x1xf32>
    %rsqrt3A_19 = math.rsqrt %add3A_18 : vector<1000x1xf32>
    %get3A_20 = arith.constant 0 : index
    %get3A_21 = arith.constant 0 : index
    %get3A_22 = vector.load %arg2[%get3A_20, %get3A_21] : memref<1000x128xf32, #tpu.memory_space<vmem>>, vector<1000x128xf32>
    %get3A_23 = arith.constant 0 : index
    %get3A_24 = arith.constant 0 : index
    %get3A_25 = vector.load %arg4[%get3A_23, %get3A_24] : memref<1000x128xf32, #tpu.memory_space<vmem>>, vector<1000x128xf32>
    %add3A_26 = arith.addf %get3A_22, %get3A_25 : vector<1000x128xf32>
    %mul3A_27 = vector.broadcast %rsqrt3A_19 : vector<1000x1xf32> to vector<1000x128xf32>
    %mul3A_28 = arith.mulf %mul3A_27, %add3A_26 : vector<1000x128xf32>
    %swap3A = arith.constant 0 : index
    %swap3A_29 = arith.constant 0 : index
    %swap3A_30 = vector.load %arg7[%swap3A, %swap3A_29] : memref<1000x128xf32, #tpu.memory_space<vmem>>, vector<1000x128xf32>
    tpu.vector_store %arg7[%swap3A, %swap3A_29], %mul3A_11 {strides = array<i32>} : memref<1000x128xf32, #tpu.memory_space<vmem>>, vector<1000x128xf32>,
    %swap3A_31 = arith.constant 0 : index
    %swap3A_32 = arith.constant 0 : index
    %swap3A_33 = vector.load %arg8[%swap3A_31, %swap3A_32] : memref<1000x128xf32, #tpu.memory_space<vmem>>, vector<1000x128xf32>
    tpu.vector_store %arg8[%swap3A_31, %swap3A_32], %mul3A_28 {strides = array<i32>} : memref<1000x128xf32, #tpu.memory_space<vmem>>, vector<1000x128xf32>,
    %reduce_sum3A = arith.constant dense<0.000000e+00> : vector<128xf32>
    %reduce_sum3A_34 = vector.multi_reduction <add>, %mul3A_11, %reduce_sum3A [0] : vector<1000x128xf32> to vector<128xf32>
    %mul3A_35 = arith.mulf %mul3A_11, %mul3A_11 : vector<1000x128xf32>
    %reduce_sum3A_36 = arith.constant dense<0.000000e+00> : vector<128xf32>
    %reduce_sum3A_37 = vector.multi_reduction <add>, %mul3A_35, %reduce_sum3A_36 [0] : vector<1000x128xf32> to vector<128xf32>
    %stack3A = vector.shape_cast %reduce_sum3A_34 : vector<128xf32> to vector<1x128xf32>
    %stack3A_38 = vector.shape_cast %reduce_sum3A_37 : vector<128xf32> to vector<1x128xf32>
    %stack3A_39 = tpu.concatenate %stack3A, %stack3A_38 in 0 : vector<1x128xf32>, vector<1x128xf32> -> vector<2x128xf32>
    %reduce_sum3A_40 = arith.constant dense<0.000000e+00> : vector<128xf32>
    %reduce_sum3A_41 = vector.multi_reduction <add>, %mul3A_28, %reduce_sum3A_40 [0] : vector<1000x128xf32> to vector<128xf32>
    %mul3A_42 = arith.mulf %mul3A_28, %mul3A_28 : vector<1000x128xf32>
    %reduce_sum3A_43 = arith.constant dense<0.000000e+00> : vector<128xf32>
    %reduce_sum3A_44 = vector.multi_reduction <add>, %mul3A_42, %reduce_sum3A_43 [0] : vector<1000x128xf32> to vector<128xf32>
    %stack3A_45 = vector.shape_cast %reduce_sum3A_41 : vector<128xf32> to vector<1x128xf32>
    %stack3A_46 = vector.shape_cast %reduce_sum3A_44 : vector<128xf32> to vector<1x128xf32>
    %stack3A_47 = tpu.concatenate %stack3A_45, %stack3A_46 in 0 : vector<1x128xf32>, vector<1x128xf32> -> vector<2x128xf32>
    %stack3A_48 = vector.shape_cast %stack3A_39 : vector<2x128xf32> to vector<1x2x128xf32>
    %stack3A_49 = vector.shape_cast %stack3A_47 : vector<2x128xf32> to vector<1x2x128xf32>
    %stack3A_50 = tpu.concatenate %stack3A_48, %stack3A_49 in 0 : vector<1x2x128xf32>, vector<1x2x128xf32> -> vector<2x2x128xf32>
    %broadcast_in_dim3A = vector.shape_cast %stack3A_50 : vector<2x2x128xf32> to vector<1x2x2x128xf32>
    %swap3A_51 = arith.constant 0 : index
    %swap3A_52 = arith.constant 0 : index
    %swap3A_53 = arith.constant 0 : index
    %swap3A_54 = arith.constant 0 : index
    %swap3A_55 = vector.load %arg9[%swap3A_51, %swap3A_52, %swap3A_53, %swap3A_54] : memref<1x2x2x128xf32, #tpu.memory_space<vmem>>, vector<1x2x2x128xf32>
    tpu.vector_store %arg9[%swap3A_51, %swap3A_52, %swap3A_53, %swap3A_54], %broadcast_in_dim3A {strides = array<i32>} : memref<1x2x2x128xf32, #tpu.memory_space<vmem>>, vector<1x2x2x128xf32>,
    return
  }
  func.func @transform_0(%arg0: i32) -> (i32, i32) {
    %c0_i32 = arith.constant 0 : i32
    %c0_i32_0 = arith.constant 0 : i32
    return %arg0, %c0_i32 : i32, i32
  }
  func.func @transform_1(%arg0: i32) -> (i32, i32) {
    %c0_i32 = arith.constant 0 : i32
    %c0_i32_0 = arith.constant 0 : i32
    return %arg0, %c0_i32 : i32, i32
  }
  func.func @transform_2(%arg0: i32) -> (i32, i32) {
    %c0_i32 = arith.constant 0 : i32
    %c0_i32_0 = arith.constant 0 : i32
    return %arg0, %c0_i32 : i32, i32
  }
  func.func @transform_3(%arg0: i32) -> (i32, i32) {
    %c0_i32 = arith.constant 0 : i32
    %c0_i32_0 = arith.constant 0 : i32
    return %arg0, %c0_i32 : i32, i32
  }
  func.func @transform_4(%arg0: i32) -> (i32, i32) {
    %c0_i32 = arith.constant 0 : i32
    %c0_i32_0 = arith.constant 0 : i32
    return %arg0, %c0_i32 : i32, i32
  }
  func.func @transform_5(%arg0: i32) -> (i32, i32) {
    %c0_i32 = arith.constant 0 : i32
    %c0_i32_0 = arith.constant 0 : i32
    return %arg0, %c0_i32 : i32, i32
  }
  func.func @transform_6(%arg0: i32) -> (i32, i32) {
    %c0_i32 = arith.constant 0 : i32
    %c0_i32_0 = arith.constant 0 : i32
    return %arg0, %c0_i32 : i32, i32
  }
  func.func @transform_7(%arg0: i32) -> (i32, i32) {
    %c0_i32 = arith.constant 0 : i32
    %c0_i32_0 = arith.constant 0 : i32
    return %arg0, %c0_i32 : i32, i32
  }
  func.func @transform_8(%arg0: i32) -> (i32, i32, i32, i32) {
    %c0_i32 = arith.constant 0 : i32
    %c0_i32_0 = arith.constant 0 : i32
    %c0_i32_1 = arith.constant 0 : i32
    %c0_i32_2 = arith.constant 0 : i32
    return %arg0, %c0_i32, %c0_i32_0, %c0_i32_1 : i32, i32, i32, i32
  }
}

module attributes {stable_mosaic.version = 14 : i64} {
  func.func @_tc2b_body(%arg0: i32, %arg1: memref<1000x128xf32, #tpu.memory_space<vmem>>, %arg2: memref<1000x128xf32, #tpu.memory_space<vmem>>, %arg3: memref<10x2x2x128xf32, #tpu.memory_space<vmem>>, %arg4: memref<128xf32, #tpu.memory_space<vmem>>, %arg5: memref<128xf32, #tpu.memory_space<vmem>>, %arg6: memref<128xf32, #tpu.memory_space<vmem>>, %arg7: memref<128xf32, #tpu.memory_space<vmem>>, %arg8: memref<128x64xf32, #tpu.memory_space<vmem>>, %arg9: memref<128x64xf32, #tpu.memory_space<vmem>>, %arg10: memref<1000x16xf32, #tpu.memory_space<vmem>>, %arg11: memref<1000x16xf32, #tpu.memory_space<vmem>>, %arg12: memref<1000x64xf32, #tpu.memory_space<vmem>>, %arg13: memref<1000x64xf32, #tpu.memory_space<vmem>>) attributes {dimension_semantics = [#tpu.dimension_semantics<arbitrary>], iteration_bounds = array<i64: 10>, scalar_prefetch = 0 : i64, scratch_operands = 0 : i64, tpu.core_type = #tpu.core_type<tc>, window_params = [{transform_indices = @transform_0, window_bounds = array<i64: 1000, 128>}, {transform_indices = @transform_1, window_bounds = array<i64: 1000, 128>}, {pipeline_mode = #tpu.pipeline_mode<synchronous>, transform_indices = @transform_2, window_bounds = array<i64: 10, 2, 2, 128>}, {pipeline_mode = #tpu.pipeline_mode<synchronous>, transform_indices = @transform_3, window_bounds = array<i64: 128>}, {pipeline_mode = #tpu.pipeline_mode<synchronous>, transform_indices = @transform_4, window_bounds = array<i64: 128>}, {pipeline_mode = #tpu.pipeline_mode<synchronous>, transform_indices = @transform_5, window_bounds = array<i64: 128>}, {pipeline_mode = #tpu.pipeline_mode<synchronous>, transform_indices = @transform_6, window_bounds = array<i64: 128>}, {pipeline_mode = #tpu.pipeline_mode<synchronous>, transform_indices = @transform_7, window_bounds = array<i64: 128, 64>}, {pipeline_mode = #tpu.pipeline_mode<synchronous>, transform_indices = @transform_8, window_bounds = array<i64: 128, 64>}, {transform_indices = @transform_9, window_bounds = array<i64: 1000, 16>}, {transform_indices = @transform_10, window_bounds = array<i64: 1000, 16>}, {transform_indices = @transform_11, window_bounds = array<i64: 1000, 64>}, {transform_indices = @transform_12, window_bounds = array<i64: 1000, 64>}]} {
    %get3A = arith.constant 0 : index
    %get3A_0 = arith.constant 0 : index
    %get3A_1 = arith.constant 0 : index
    %get3A_2 = arith.constant 0 : index
    %get3A_3 = vector.load %arg3[%get3A, %get3A_0, %get3A_1, %get3A_2] : memref<10x2x2x128xf32, #tpu.memory_space<vmem>>, vector<10x2x2x128xf32>
    %reduce_sum3A = arith.constant dense<0.000000e+00> : vector<2x2x128xf32>
    %reduce_sum3A_4 = vector.multi_reduction <add>, %get3A_3, %reduce_sum3A [0] : vector<10x2x2x128xf32> to vector<2x2x128xf32>
    %get3A_5 = arith.constant 0 : index
    %get3A_6 = arith.constant 0 : index
    %get3A_7 = vector.load %arg1[%get3A_5, %get3A_6] : memref<1000x128xf32, #tpu.memory_space<vmem>>, vector<1000x128xf32>
    %slice3A = vector.extract_strided_slice %reduce_sum3A_4 {offsets = [0, 0, 0], sizes = [1, 2, 128], strides = [1, 1, 1]} : vector<2x2x128xf32> to vector<1x2x128xf32>
    %squeeze3A = vector.shape_cast %slice3A : vector<1x2x128xf32> to vector<2x128xf32>
    %get3A_8 = arith.constant 0 : index
    %get3A_9 = vector.load %arg4[%get3A_8] : memref<128xf32, #tpu.memory_space<vmem>>, vector<128xf32>
    %get3A_10 = arith.constant 0 : index
    %get3A_11 = vector.load %arg5[%get3A_10] : memref<128xf32, #tpu.memory_space<vmem>>, vector<128xf32>
    %slice3A_12 = vector.extract_strided_slice %squeeze3A {offsets = [0, 0], sizes = [1, 128], strides = [1, 1]} : vector<2x128xf32> to vector<1x128xf32>
    %squeeze3A_13 = vector.shape_cast %slice3A_12 : vector<1x128xf32> to vector<128xf32>
    %div3A = arith.constant 1.000000e+04 : f32
    %div3A_14 = vector.broadcast %div3A : f32 to vector<128xf32>
    %div3A_15 = arith.divf %squeeze3A_13, %div3A_14 : vector<128xf32>
    %slice3A_16 = vector.extract_strided_slice %squeeze3A {offsets = [1, 0], sizes = [1, 128], strides = [1, 1]} : vector<2x128xf32> to vector<1x128xf32>
    %squeeze3A_17 = vector.shape_cast %slice3A_16 : vector<1x128xf32> to vector<128xf32>
    %div3A_18 = arith.constant 1.000000e+04 : f32
    %div3A_19 = vector.broadcast %div3A_18 : f32 to vector<128xf32>
    %div3A_20 = arith.divf %squeeze3A_17, %div3A_19 : vector<128xf32>
    %mul3A = arith.mulf %div3A_15, %div3A_15 : vector<128xf32>
    %sub3A = arith.subf %div3A_20, %mul3A : vector<128xf32>
    %broadcast_in_dim3A = vector.shape_cast %div3A_15 : vector<128xf32> to vector<1x128xf32>
    %sub3A_21 = vector.broadcast %broadcast_in_dim3A : vector<1x128xf32> to vector<1000x128xf32>
    %sub3A_22 = arith.subf %get3A_7, %sub3A_21 : vector<1000x128xf32>
    %broadcast_in_dim3A_23 = vector.shape_cast %sub3A : vector<128xf32> to vector<1x128xf32>
    %add3A = arith.constant 9.99999974E-6 : f32
    %add3A_24 = vector.broadcast %add3A : f32 to vector<1x128xf32>
    %add3A_25 = arith.addf %broadcast_in_dim3A_23, %add3A_24 : vector<1x128xf32>
    %rsqrt3A = math.rsqrt %add3A_25 : vector<1x128xf32>
    %mul3A_26 = vector.broadcast %rsqrt3A : vector<1x128xf32> to vector<1000x128xf32>
    %mul3A_27 = arith.mulf %sub3A_22, %mul3A_26 : vector<1000x128xf32>
    %broadcast_in_dim3A_28 = vector.shape_cast %get3A_9 : vector<128xf32> to vector<1x128xf32>
    %mul3A_29 = vector.broadcast %broadcast_in_dim3A_28 : vector<1x128xf32> to vector<1000x128xf32>
    %mul3A_30 = arith.mulf %mul3A_27, %mul3A_29 : vector<1000x128xf32>
    %broadcast_in_dim3A_31 = vector.shape_cast %get3A_11 : vector<128xf32> to vector<1x128xf32>
    %add3A_32 = vector.broadcast %broadcast_in_dim3A_31 : vector<1x128xf32> to vector<1000x128xf32>
    %add3A_33 = arith.addf %mul3A_30, %add3A_32 : vector<1000x128xf32>
    %max3A = arith.constant 0.000000e+00 : f32
    %max3A_34 = vector.broadcast %max3A : f32 to vector<1000x128xf32>
    %max3A_35 = arith.maximumf %add3A_33, %max3A_34 : vector<1000x128xf32>
    %get3A_36 = arith.constant 0 : index
    %get3A_37 = arith.constant 0 : index
    %get3A_38 = vector.load %arg2[%get3A_36, %get3A_37] : memref<1000x128xf32, #tpu.memory_space<vmem>>, vector<1000x128xf32>
    %slice3A_39 = vector.extract_strided_slice %reduce_sum3A_4 {offsets = [1, 0, 0], sizes = [1, 2, 128], strides = [1, 1, 1]} : vector<2x2x128xf32> to vector<1x2x128xf32>
    %squeeze3A_40 = vector.shape_cast %slice3A_39 : vector<1x2x128xf32> to vector<2x128xf32>
    %get3A_41 = arith.constant 0 : index
    %get3A_42 = vector.load %arg6[%get3A_41] : memref<128xf32, #tpu.memory_space<vmem>>, vector<128xf32>
    %get3A_43 = arith.constant 0 : index
    %get3A_44 = vector.load %arg7[%get3A_43] : memref<128xf32, #tpu.memory_space<vmem>>, vector<128xf32>
    %slice3A_45 = vector.extract_strided_slice %squeeze3A_40 {offsets = [0, 0], sizes = [1, 128], strides = [1, 1]} : vector<2x128xf32> to vector<1x128xf32>
    %squeeze3A_46 = vector.shape_cast %slice3A_45 : vector<1x128xf32> to vector<128xf32>
    %div3A_47 = arith.constant 1.000000e+04 : f32
    %div3A_48 = vector.broadcast %div3A_47 : f32 to vector<128xf32>
    %div3A_49 = arith.divf %squeeze3A_46, %div3A_48 : vector<128xf32>
    %slice3A_50 = vector.extract_strided_slice %squeeze3A_40 {offsets = [1, 0], sizes = [1, 128], strides = [1, 1]} : vector<2x128xf32> to vector<1x128xf32>
    %squeeze3A_51 = vector.shape_cast %slice3A_50 : vector<1x128xf32> to vector<128xf32>
    %div3A_52 = arith.constant 1.000000e+04 : f32
    %div3A_53 = vector.broadcast %div3A_52 : f32 to vector<128xf32>
    %div3A_54 = arith.divf %squeeze3A_51, %div3A_53 : vector<128xf32>
    %mul3A_55 = arith.mulf %div3A_49, %div3A_49 : vector<128xf32>
    %sub3A_56 = arith.subf %div3A_54, %mul3A_55 : vector<128xf32>
    %broadcast_in_dim3A_57 = vector.shape_cast %div3A_49 : vector<128xf32> to vector<1x128xf32>
    %sub3A_58 = vector.broadcast %broadcast_in_dim3A_57 : vector<1x128xf32> to vector<1000x128xf32>
    %sub3A_59 = arith.subf %get3A_38, %sub3A_58 : vector<1000x128xf32>
    %broadcast_in_dim3A_60 = vector.shape_cast %sub3A_56 : vector<128xf32> to vector<1x128xf32>
    %add3A_61 = arith.constant 9.99999974E-6 : f32
    %add3A_62 = vector.broadcast %add3A_61 : f32 to vector<1x128xf32>
    %add3A_63 = arith.addf %broadcast_in_dim3A_60, %add3A_62 : vector<1x128xf32>
    %rsqrt3A_64 = math.rsqrt %add3A_63 : vector<1x128xf32>
    %mul3A_65 = vector.broadcast %rsqrt3A_64 : vector<1x128xf32> to vector<1000x128xf32>
    %mul3A_66 = arith.mulf %sub3A_59, %mul3A_65 : vector<1000x128xf32>
    %broadcast_in_dim3A_67 = vector.shape_cast %get3A_42 : vector<128xf32> to vector<1x128xf32>
    %mul3A_68 = vector.broadcast %broadcast_in_dim3A_67 : vector<1x128xf32> to vector<1000x128xf32>
    %mul3A_69 = arith.mulf %mul3A_66, %mul3A_68 : vector<1000x128xf32>
    %broadcast_in_dim3A_70 = vector.shape_cast %get3A_44 : vector<128xf32> to vector<1x128xf32>
    %add3A_71 = vector.broadcast %broadcast_in_dim3A_70 : vector<1x128xf32> to vector<1000x128xf32>
    %add3A_72 = arith.addf %mul3A_69, %add3A_71 : vector<1000x128xf32>
    %max3A_73 = arith.constant 0.000000e+00 : f32
    %max3A_74 = vector.broadcast %max3A_73 : f32 to vector<1000x128xf32>
    %max3A_75 = arith.maximumf %add3A_72, %max3A_74 : vector<1000x128xf32>
    %get3A_76 = arith.constant 0 : index
    %get3A_77 = arith.constant 0 : index
    %get3A_78 = vector.load %arg8[%get3A_76, %get3A_77] : memref<128x64xf32, #tpu.memory_space<vmem>>, vector<128x64xf32>
    %dot_general3A = arith.constant dense<0.000000e+00> : vector<1000x64xf32>
    %dot_general3A_79 = tpu.matmul %max3A_35, %get3A_78, %dot_general3A {dimension_numbers = #tpu.dot_dimension_numbers<[1], [0], [0], [1], [0, 0, 1, 1], [], []>, transpose_lhs_hint = false} : vector<1000x128xf32>, vector<128x64xf32>, vector<1000x64xf32> -> vector<1000x64xf32>
    %get3A_80 = arith.constant 0 : index
    %get3A_81 = arith.constant 0 : index
    %get3A_82 = vector.load %arg10[%get3A_80, %get3A_81] : memref<1000x16xf32, #tpu.memory_space<vmem>>, vector<1000x16xf32>
    %slice3A_83 = vector.extract_strided_slice %get3A_82 {offsets = [0, 0], sizes = [1000, 1], strides = [1, 1]} : vector<1000x16xf32> to vector<1000x1xf32>
    %add3A_84 = arith.constant 1.000000e+00 : f32
    %add3A_85 = vector.broadcast %add3A_84 : f32 to vector<1000x1xf32>
    %add3A_86 = arith.addf %slice3A_83, %add3A_85 : vector<1000x1xf32>
    %rsqrt3A_87 = math.rsqrt %add3A_86 : vector<1000x1xf32>
    %mul3A_88 = vector.broadcast %rsqrt3A_87 : vector<1000x1xf32> to vector<1000x64xf32>
    %mul3A_89 = arith.mulf %dot_general3A_79, %mul3A_88 : vector<1000x64xf32>
    %swap3A = arith.constant 0 : index
    %swap3A_90 = arith.constant 0 : index
    %swap3A_91 = vector.load %arg12[%swap3A, %swap3A_90] : memref<1000x64xf32, #tpu.memory_space<vmem>>, vector<1000x64xf32>
    tpu.vector_store %arg12[%swap3A, %swap3A_90], %mul3A_89 {strides = array<i32>} : memref<1000x64xf32, #tpu.memory_space<vmem>>, vector<1000x64xf32>,
    %get3A_92 = arith.constant 0 : index
    %get3A_93 = arith.constant 0 : index
    %get3A_94 = vector.load %arg9[%get3A_92, %get3A_93] : memref<128x64xf32, #tpu.memory_space<vmem>>, vector<128x64xf32>
    %dot_general3A_95 = arith.constant dense<0.000000e+00> : vector<1000x64xf32>
    %dot_general3A_96 = tpu.matmul %max3A_75, %get3A_94, %dot_general3A_95 {dimension_numbers = #tpu.dot_dimension_numbers<[1], [0], [0], [1], [0, 0, 1, 1], [], []>, transpose_lhs_hint = false} : vector<1000x128xf32>, vector<128x64xf32>, vector<1000x64xf32> -> vector<1000x64xf32>
    %get3A_97 = arith.constant 0 : index
    %get3A_98 = arith.constant 0 : index
    %get3A_99 = vector.load %arg11[%get3A_97, %get3A_98] : memref<1000x16xf32, #tpu.memory_space<vmem>>, vector<1000x16xf32>
    %slice3A_100 = vector.extract_strided_slice %get3A_99 {offsets = [0, 0], sizes = [1000, 1], strides = [1, 1]} : vector<1000x16xf32> to vector<1000x1xf32>
    %add3A_101 = arith.constant 1.000000e+00 : f32
    %add3A_102 = vector.broadcast %add3A_101 : f32 to vector<1000x1xf32>
    %add3A_103 = arith.addf %slice3A_100, %add3A_102 : vector<1000x1xf32>
    %rsqrt3A_104 = math.rsqrt %add3A_103 : vector<1000x1xf32>
    %mul3A_105 = vector.broadcast %rsqrt3A_104 : vector<1000x1xf32> to vector<1000x64xf32>
    %mul3A_106 = arith.mulf %dot_general3A_96, %mul3A_105 : vector<1000x64xf32>
    %swap3A_107 = arith.constant 0 : index
    %swap3A_108 = arith.constant 0 : index
    %swap3A_109 = vector.load %arg13[%swap3A_107, %swap3A_108] : memref<1000x64xf32, #tpu.memory_space<vmem>>, vector<1000x64xf32>
    tpu.vector_store %arg13[%swap3A_107, %swap3A_108], %mul3A_106 {strides = array<i32>} : memref<1000x64xf32, #tpu.memory_space<vmem>>, vector<1000x64xf32>,
    return
  }
  func.func @transform_0(%arg0: i32) -> (i32, i32) {
    %c0_i32 = arith.constant 0 : i32
    %c0_i32_0 = arith.constant 0 : i32
    return %arg0, %c0_i32 : i32, i32
  }
  func.func @transform_1(%arg0: i32) -> (i32, i32) {
    %c0_i32 = arith.constant 0 : i32
    %c0_i32_0 = arith.constant 0 : i32
    return %arg0, %c0_i32 : i32, i32
  }
  func.func @transform_2(%arg0: i32) -> (i32, i32, i32, i32) {
    %c0_i32 = arith.constant 0 : i32
    %c0_i32_0 = arith.constant 0 : i32
    %c0_i32_1 = arith.constant 0 : i32
    %c0_i32_2 = arith.constant 0 : i32
    %c0_i32_3 = arith.constant 0 : i32
    return %c0_i32, %c0_i32_0, %c0_i32_1, %c0_i32_2 : i32, i32, i32, i32
  }
  func.func @transform_3(%arg0: i32) -> i32 {
    %c0_i32 = arith.constant 0 : i32
    %c0_i32_0 = arith.constant 0 : i32
    return %c0_i32 : i32
  }
  func.func @transform_4(%arg0: i32) -> i32 {
    %c0_i32 = arith.constant 0 : i32
    %c0_i32_0 = arith.constant 0 : i32
    return %c0_i32 : i32
  }
  func.func @transform_5(%arg0: i32) -> i32 {
    %c0_i32 = arith.constant 0 : i32
    %c0_i32_0 = arith.constant 0 : i32
    return %c0_i32 : i32
  }
  func.func @transform_6(%arg0: i32) -> i32 {
    %c0_i32 = arith.constant 0 : i32
    %c0_i32_0 = arith.constant 0 : i32
    return %c0_i32 : i32
  }
  func.func @transform_7(%arg0: i32) -> (i32, i32) {
    %c0_i32 = arith.constant 0 : i32
    %c0_i32_0 = arith.constant 0 : i32
    %c0_i32_1 = arith.constant 0 : i32
    return %c0_i32, %c0_i32_0 : i32, i32
  }
  func.func @transform_8(%arg0: i32) -> (i32, i32) {
    %c0_i32 = arith.constant 0 : i32
    %c0_i32_0 = arith.constant 0 : i32
    %c0_i32_1 = arith.constant 0 : i32
    return %c0_i32, %c0_i32_0 : i32, i32
  }
  func.func @transform_9(%arg0: i32) -> (i32, i32) {
    %c0_i32 = arith.constant 0 : i32
    %c0_i32_0 = arith.constant 0 : i32
    return %arg0, %c0_i32 : i32, i32
  }
  func.func @transform_10(%arg0: i32) -> (i32, i32) {
    %c0_i32 = arith.constant 0 : i32
    %c0_i32_0 = arith.constant 0 : i32
    return %arg0, %c0_i32 : i32, i32
  }
  func.func @transform_11(%arg0: i32) -> (i32, i32) {
    %c0_i32 = arith.constant 0 : i32
    %c0_i32_0 = arith.constant 0 : i32
    return %arg0, %c0_i32 : i32, i32
  }
  func.func @transform_12(%arg0: i32) -> (i32, i32) {
    %c0_i32 = arith.constant 0 : i32
    %c0_i32_0 = arith.constant 0 : i32
    return %arg0, %c0_i32 : i32, i32
  }
}

module attributes {stable_mosaic.version = 14 : i64} {
  func.func @body(%arg0: i32, %arg1: memref<1000x64xf32, #tpu.memory_space<vmem>>, %arg2: memref<1000x64xf32, #tpu.memory_space<vmem>>, %arg3: memref<1000x64xf32, #tpu.memory_space<vmem>>, %arg4: memref<1000x64xf32, #tpu.memory_space<vmem>>, %arg5: memref<1000x16xf32, #tpu.memory_space<vmem>>, %arg6: memref<1000x16xf32, #tpu.memory_space<vmem>>, %arg7: memref<1000x64xf32, #tpu.memory_space<vmem>>, %arg8: memref<1000x64xf32, #tpu.memory_space<vmem>>, %arg9: memref<1x2x2x64xf32, #tpu.memory_space<vmem>>) attributes {dimension_semantics = [#tpu.dimension_semantics<arbitrary>], iteration_bounds = array<i64: 10>, scalar_prefetch = 0 : i64, scratch_operands = 0 : i64, tpu.core_type = #tpu.core_type<tc>, window_params = [{transform_indices = @transform_0, window_bounds = array<i64: 1000, 64>}, {transform_indices = @transform_1, window_bounds = array<i64: 1000, 64>}, {transform_indices = @transform_2, window_bounds = array<i64: 1000, 64>}, {transform_indices = @transform_3, window_bounds = array<i64: 1000, 64>}, {transform_indices = @transform_4, window_bounds = array<i64: 1000, 16>}, {transform_indices = @transform_5, window_bounds = array<i64: 1000, 16>}, {transform_indices = @transform_6, window_bounds = array<i64: 1000, 64>}, {transform_indices = @transform_7, window_bounds = array<i64: 1000, 64>}, {transform_indices = @transform_8, window_bounds = array<i64: 1, 2, 2, 64>}]} {
    %get3A = arith.constant 0 : index
    %get3A_0 = arith.constant 0 : index
    %get3A_1 = vector.load %arg5[%get3A, %get3A_0] : memref<1000x16xf32, #tpu.memory_space<vmem>>, vector<1000x16xf32>
    %slice3A = vector.extract_strided_slice %get3A_1 {offsets = [0, 0], sizes = [1000, 1], strides = [1, 1]} : vector<1000x16xf32> to vector<1000x1xf32>
    %add3A = arith.constant 1.000000e+00 : f32
    %add3A_2 = vector.broadcast %add3A : f32 to vector<1000x1xf32>
    %add3A_3 = arith.addf %slice3A, %add3A_2 : vector<1000x1xf32>
    %rsqrt3A = math.rsqrt %add3A_3 : vector<1000x1xf32>
    %get3A_4 = arith.constant 0 : index
    %get3A_5 = arith.constant 0 : index
    %get3A_6 = vector.load %arg1[%get3A_4, %get3A_5] : memref<1000x64xf32, #tpu.memory_space<vmem>>, vector<1000x64xf32>
    %get3A_7 = arith.constant 0 : index
    %get3A_8 = arith.constant 0 : index
    %get3A_9 = vector.load %arg3[%get3A_7, %get3A_8] : memref<1000x64xf32, #tpu.memory_space<vmem>>, vector<1000x64xf32>
    %add3A_10 = arith.addf %get3A_6, %get3A_9 : vector<1000x64xf32>
    %mul3A = vector.broadcast %rsqrt3A : vector<1000x1xf32> to vector<1000x64xf32>
    %mul3A_11 = arith.mulf %mul3A, %add3A_10 : vector<1000x64xf32>
    %get3A_12 = arith.constant 0 : index
    %get3A_13 = arith.constant 0 : index
    %get3A_14 = vector.load %arg6[%get3A_12, %get3A_13] : memref<1000x16xf32, #tpu.memory_space<vmem>>, vector<1000x16xf32>
    %slice3A_15 = vector.extract_strided_slice %get3A_14 {offsets = [0, 0], sizes = [1000, 1], strides = [1, 1]} : vector<1000x16xf32> to vector<1000x1xf32>
    %add3A_16 = arith.constant 1.000000e+00 : f32
    %add3A_17 = vector.broadcast %add3A_16 : f32 to vector<1000x1xf32>
    %add3A_18 = arith.addf %slice3A_15, %add3A_17 : vector<1000x1xf32>
    %rsqrt3A_19 = math.rsqrt %add3A_18 : vector<1000x1xf32>
    %get3A_20 = arith.constant 0 : index
    %get3A_21 = arith.constant 0 : index
    %get3A_22 = vector.load %arg2[%get3A_20, %get3A_21] : memref<1000x64xf32, #tpu.memory_space<vmem>>, vector<1000x64xf32>
    %get3A_23 = arith.constant 0 : index
    %get3A_24 = arith.constant 0 : index
    %get3A_25 = vector.load %arg4[%get3A_23, %get3A_24] : memref<1000x64xf32, #tpu.memory_space<vmem>>, vector<1000x64xf32>
    %add3A_26 = arith.addf %get3A_22, %get3A_25 : vector<1000x64xf32>
    %mul3A_27 = vector.broadcast %rsqrt3A_19 : vector<1000x1xf32> to vector<1000x64xf32>
    %mul3A_28 = arith.mulf %mul3A_27, %add3A_26 : vector<1000x64xf32>
    %swap3A = arith.constant 0 : index
    %swap3A_29 = arith.constant 0 : index
    %swap3A_30 = vector.load %arg7[%swap3A, %swap3A_29] : memref<1000x64xf32, #tpu.memory_space<vmem>>, vector<1000x64xf32>
    tpu.vector_store %arg7[%swap3A, %swap3A_29], %mul3A_11 {strides = array<i32>} : memref<1000x64xf32, #tpu.memory_space<vmem>>, vector<1000x64xf32>,
    %swap3A_31 = arith.constant 0 : index
    %swap3A_32 = arith.constant 0 : index
    %swap3A_33 = vector.load %arg8[%swap3A_31, %swap3A_32] : memref<1000x64xf32, #tpu.memory_space<vmem>>, vector<1000x64xf32>
    tpu.vector_store %arg8[%swap3A_31, %swap3A_32], %mul3A_28 {strides = array<i32>} : memref<1000x64xf32, #tpu.memory_space<vmem>>, vector<1000x64xf32>,
    %reduce_sum3A = arith.constant dense<0.000000e+00> : vector<64xf32>
    %reduce_sum3A_34 = vector.multi_reduction <add>, %mul3A_11, %reduce_sum3A [0] : vector<1000x64xf32> to vector<64xf32>
    %mul3A_35 = arith.mulf %mul3A_11, %mul3A_11 : vector<1000x64xf32>
    %reduce_sum3A_36 = arith.constant dense<0.000000e+00> : vector<64xf32>
    %reduce_sum3A_37 = vector.multi_reduction <add>, %mul3A_35, %reduce_sum3A_36 [0] : vector<1000x64xf32> to vector<64xf32>
    %stack3A = vector.shape_cast %reduce_sum3A_34 : vector<64xf32> to vector<1x64xf32>
    %stack3A_38 = vector.shape_cast %reduce_sum3A_37 : vector<64xf32> to vector<1x64xf32>
    %stack3A_39 = tpu.concatenate %stack3A, %stack3A_38 in 0 : vector<1x64xf32>, vector<1x64xf32> -> vector<2x64xf32>
    %reduce_sum3A_40 = arith.constant dense<0.000000e+00> : vector<64xf32>
    %reduce_sum3A_41 = vector.multi_reduction <add>, %mul3A_28, %reduce_sum3A_40 [0] : vector<1000x64xf32> to vector<64xf32>
    %mul3A_42 = arith.mulf %mul3A_28, %mul3A_28 : vector<1000x64xf32>
    %reduce_sum3A_43 = arith.constant dense<0.000000e+00> : vector<64xf32>
    %reduce_sum3A_44 = vector.multi_reduction <add>, %mul3A_42, %reduce_sum3A_43 [0] : vector<1000x64xf32> to vector<64xf32>
    %stack3A_45 = vector.shape_cast %reduce_sum3A_41 : vector<64xf32> to vector<1x64xf32>
    %stack3A_46 = vector.shape_cast %reduce_sum3A_44 : vector<64xf32> to vector<1x64xf32>
    %stack3A_47 = tpu.concatenate %stack3A_45, %stack3A_46 in 0 : vector<1x64xf32>, vector<1x64xf32> -> vector<2x64xf32>
    %stack3A_48 = vector.shape_cast %stack3A_39 : vector<2x64xf32> to vector<1x2x64xf32>
    %stack3A_49 = vector.shape_cast %stack3A_47 : vector<2x64xf32> to vector<1x2x64xf32>
    %stack3A_50 = tpu.concatenate %stack3A_48, %stack3A_49 in 0 : vector<1x2x64xf32>, vector<1x2x64xf32> -> vector<2x2x64xf32>
    %broadcast_in_dim3A = vector.shape_cast %stack3A_50 : vector<2x2x64xf32> to vector<1x2x2x64xf32>
    %swap3A_51 = arith.constant 0 : index
    %swap3A_52 = arith.constant 0 : index
    %swap3A_53 = arith.constant 0 : index
    %swap3A_54 = arith.constant 0 : index
    %swap3A_55 = vector.load %arg9[%swap3A_51, %swap3A_52, %swap3A_53, %swap3A_54] : memref<1x2x2x64xf32, #tpu.memory_space<vmem>>, vector<1x2x2x64xf32>
    tpu.vector_store %arg9[%swap3A_51, %swap3A_52, %swap3A_53, %swap3A_54], %broadcast_in_dim3A {strides = array<i32>} : memref<1x2x2x64xf32, #tpu.memory_space<vmem>>, vector<1x2x2x64xf32>,
    return
  }
  func.func @transform_0(%arg0: i32) -> (i32, i32) {
    %c0_i32 = arith.constant 0 : i32
    %c0_i32_0 = arith.constant 0 : i32
    return %arg0, %c0_i32 : i32, i32
  }
  func.func @transform_1(%arg0: i32) -> (i32, i32) {
    %c0_i32 = arith.constant 0 : i32
    %c0_i32_0 = arith.constant 0 : i32
    return %arg0, %c0_i32 : i32, i32
  }
  func.func @transform_2(%arg0: i32) -> (i32, i32) {
    %c0_i32 = arith.constant 0 : i32
    %c0_i32_0 = arith.constant 0 : i32
    return %arg0, %c0_i32 : i32, i32
  }
  func.func @transform_3(%arg0: i32) -> (i32, i32) {
    %c0_i32 = arith.constant 0 : i32
    %c0_i32_0 = arith.constant 0 : i32
    return %arg0, %c0_i32 : i32, i32
  }
  func.func @transform_4(%arg0: i32) -> (i32, i32) {
    %c0_i32 = arith.constant 0 : i32
    %c0_i32_0 = arith.constant 0 : i32
    return %arg0, %c0_i32 : i32, i32
  }
  func.func @transform_5(%arg0: i32) -> (i32, i32) {
    %c0_i32 = arith.constant 0 : i32
    %c0_i32_0 = arith.constant 0 : i32
    return %arg0, %c0_i32 : i32, i32
  }
  func.func @transform_6(%arg0: i32) -> (i32, i32) {
    %c0_i32 = arith.constant 0 : i32
    %c0_i32_0 = arith.constant 0 : i32
    return %arg0, %c0_i32 : i32, i32
  }
  func.func @transform_7(%arg0: i32) -> (i32, i32) {
    %c0_i32 = arith.constant 0 : i32
    %c0_i32_0 = arith.constant 0 : i32
    return %arg0, %c0_i32 : i32, i32
  }
  func.func @transform_8(%arg0: i32) -> (i32, i32, i32, i32) {
    %c0_i32 = arith.constant 0 : i32
    %c0_i32_0 = arith.constant 0 : i32
    %c0_i32_1 = arith.constant 0 : i32
    %c0_i32_2 = arith.constant 0 : i32
    return %arg0, %c0_i32, %c0_i32_0, %c0_i32_1 : i32, i32, i32, i32
  }
}

module attributes {stable_mosaic.version = 14 : i64} {
  func.func @_tc3b_body(%arg0: i32, %arg1: memref<1000x64xf32, #tpu.memory_space<vmem>>, %arg2: memref<1000x64xf32, #tpu.memory_space<vmem>>, %arg3: memref<10x2x2x64xf32, #tpu.memory_space<vmem>>, %arg4: memref<64xf32, #tpu.memory_space<vmem>>, %arg5: memref<64xf32, #tpu.memory_space<vmem>>, %arg6: memref<64xf32, #tpu.memory_space<vmem>>, %arg7: memref<64xf32, #tpu.memory_space<vmem>>, %arg8: memref<1x1x1000xi32, #tpu.memory_space<vmem>>, %arg9: memref<1x2x256x64xf32, #tpu.memory_space<vmem>>, %arg10: memref<1x256x16xf32, #tpu.memory_space<vmem>>) attributes {dimension_semantics = [#tpu.dimension_semantics<arbitrary>], iteration_bounds = array<i64: 10>, scalar_prefetch = 0 : i64, scratch_operands = 0 : i64, tpu.core_type = #tpu.core_type<tc>, window_params = [{transform_indices = @transform_0, window_bounds = array<i64: 1000, 64>}, {transform_indices = @transform_1, window_bounds = array<i64: 1000, 64>}, {pipeline_mode = #tpu.pipeline_mode<synchronous>, transform_indices = @transform_2, window_bounds = array<i64: 10, 2, 2, 64>}, {pipeline_mode = #tpu.pipeline_mode<synchronous>, transform_indices = @transform_3, window_bounds = array<i64: 64>}, {pipeline_mode = #tpu.pipeline_mode<synchronous>, transform_indices = @transform_4, window_bounds = array<i64: 64>}, {pipeline_mode = #tpu.pipeline_mode<synchronous>, transform_indices = @transform_5, window_bounds = array<i64: 64>}, {pipeline_mode = #tpu.pipeline_mode<synchronous>, transform_indices = @transform_6, window_bounds = array<i64: 64>}, {transform_indices = @transform_7, window_bounds = array<i64: 1, 1, 1000>}, {transform_indices = @transform_8, window_bounds = array<i64: 1, 2, 256, 64>}, {transform_indices = @transform_9, window_bounds = array<i64: 1, 256, 16>}]} {
    %get3A = arith.constant 0 : index
    %get3A_0 = arith.constant 0 : index
    %get3A_1 = arith.constant 0 : index
    %get3A_2 = arith.constant 0 : index
    %get3A_3 = vector.load %arg3[%get3A, %get3A_0, %get3A_1, %get3A_2] : memref<10x2x2x64xf32, #tpu.memory_space<vmem>>, vector<10x2x2x64xf32>
    %reduce_sum3A = arith.constant dense<0.000000e+00> : vector<2x2x64xf32>
    %reduce_sum3A_4 = vector.multi_reduction <add>, %get3A_3, %reduce_sum3A [0] : vector<10x2x2x64xf32> to vector<2x2x64xf32>
    %get3A_5 = arith.constant 0 : index
    %get3A_6 = arith.constant 0 : index
    %get3A_7 = vector.load %arg1[%get3A_5, %get3A_6] : memref<1000x64xf32, #tpu.memory_space<vmem>>, vector<1000x64xf32>
    %slice3A = vector.extract_strided_slice %reduce_sum3A_4 {offsets = [0, 0, 0], sizes = [1, 2, 64], strides = [1, 1, 1]} : vector<2x2x64xf32> to vector<1x2x64xf32>
    %squeeze3A = vector.shape_cast %slice3A : vector<1x2x64xf32> to vector<2x64xf32>
    %get3A_8 = arith.constant 0 : index
    %get3A_9 = vector.load %arg4[%get3A_8] : memref<64xf32, #tpu.memory_space<vmem>>, vector<64xf32>
    %get3A_10 = arith.constant 0 : index
    %get3A_11 = vector.load %arg5[%get3A_10] : memref<64xf32, #tpu.memory_space<vmem>>, vector<64xf32>
    %slice3A_12 = vector.extract_strided_slice %squeeze3A {offsets = [0, 0], sizes = [1, 64], strides = [1, 1]} : vector<2x64xf32> to vector<1x64xf32>
    %squeeze3A_13 = vector.shape_cast %slice3A_12 : vector<1x64xf32> to vector<64xf32>
    %div3A = arith.constant 1.000000e+04 : f32
    %div3A_14 = vector.broadcast %div3A : f32 to vector<64xf32>
    %div3A_15 = arith.divf %squeeze3A_13, %div3A_14 : vector<64xf32>
    %slice3A_16 = vector.extract_strided_slice %squeeze3A {offsets = [1, 0], sizes = [1, 64], strides = [1, 1]} : vector<2x64xf32> to vector<1x64xf32>
    %squeeze3A_17 = vector.shape_cast %slice3A_16 : vector<1x64xf32> to vector<64xf32>
    %div3A_18 = arith.constant 1.000000e+04 : f32
    %div3A_19 = vector.broadcast %div3A_18 : f32 to vector<64xf32>
    %div3A_20 = arith.divf %squeeze3A_17, %div3A_19 : vector<64xf32>
    %mul3A = arith.mulf %div3A_15, %div3A_15 : vector<64xf32>
    %sub3A = arith.subf %div3A_20, %mul3A : vector<64xf32>
    %broadcast_in_dim3A = vector.shape_cast %div3A_15 : vector<64xf32> to vector<1x64xf32>
    %sub3A_21 = vector.broadcast %broadcast_in_dim3A : vector<1x64xf32> to vector<1000x64xf32>
    %sub3A_22 = arith.subf %get3A_7, %sub3A_21 : vector<1000x64xf32>
    %broadcast_in_dim3A_23 = vector.shape_cast %sub3A : vector<64xf32> to vector<1x64xf32>
    %add3A = arith.constant 9.99999974E-6 : f32
    %add3A_24 = vector.broadcast %add3A : f32 to vector<1x64xf32>
    %add3A_25 = arith.addf %broadcast_in_dim3A_23, %add3A_24 : vector<1x64xf32>
    %rsqrt3A = math.rsqrt %add3A_25 : vector<1x64xf32>
    %mul3A_26 = vector.broadcast %rsqrt3A : vector<1x64xf32> to vector<1000x64xf32>
    %mul3A_27 = arith.mulf %sub3A_22, %mul3A_26 : vector<1000x64xf32>
    %broadcast_in_dim3A_28 = vector.shape_cast %get3A_9 : vector<64xf32> to vector<1x64xf32>
    %mul3A_29 = vector.broadcast %broadcast_in_dim3A_28 : vector<1x64xf32> to vector<1000x64xf32>
    %mul3A_30 = arith.mulf %mul3A_27, %mul3A_29 : vector<1000x64xf32>
    %broadcast_in_dim3A_31 = vector.shape_cast %get3A_11 : vector<64xf32> to vector<1x64xf32>
    %add3A_32 = vector.broadcast %broadcast_in_dim3A_31 : vector<1x64xf32> to vector<1000x64xf32>
    %add3A_33 = arith.addf %mul3A_30, %add3A_32 : vector<1000x64xf32>
    %max3A = arith.constant 0.000000e+00 : f32
    %max3A_34 = vector.broadcast %max3A : f32 to vector<1000x64xf32>
    %max3A_35 = arith.maximumf %add3A_33, %max3A_34 : vector<1000x64xf32>
    %get3A_36 = arith.constant 0 : index
    %get3A_37 = arith.constant 0 : index
    %get3A_38 = vector.load %arg2[%get3A_36, %get3A_37] : memref<1000x64xf32, #tpu.memory_space<vmem>>, vector<1000x64xf32>
    %slice3A_39 = vector.extract_strided_slice %reduce_sum3A_4 {offsets = [1, 0, 0], sizes = [1, 2, 64], strides = [1, 1, 1]} : vector<2x2x64xf32> to vector<1x2x64xf32>
    %squeeze3A_40 = vector.shape_cast %slice3A_39 : vector<1x2x64xf32> to vector<2x64xf32>
    %get3A_41 = arith.constant 0 : index
    %get3A_42 = vector.load %arg6[%get3A_41] : memref<64xf32, #tpu.memory_space<vmem>>, vector<64xf32>
    %get3A_43 = arith.constant 0 : index
    %get3A_44 = vector.load %arg7[%get3A_43] : memref<64xf32, #tpu.memory_space<vmem>>, vector<64xf32>
    %slice3A_45 = vector.extract_strided_slice %squeeze3A_40 {offsets = [0, 0], sizes = [1, 64], strides = [1, 1]} : vector<2x64xf32> to vector<1x64xf32>
    %squeeze3A_46 = vector.shape_cast %slice3A_45 : vector<1x64xf32> to vector<64xf32>
    %div3A_47 = arith.constant 1.000000e+04 : f32
    %div3A_48 = vector.broadcast %div3A_47 : f32 to vector<64xf32>
    %div3A_49 = arith.divf %squeeze3A_46, %div3A_48 : vector<64xf32>
    %slice3A_50 = vector.extract_strided_slice %squeeze3A_40 {offsets = [1, 0], sizes = [1, 64], strides = [1, 1]} : vector<2x64xf32> to vector<1x64xf32>
    %squeeze3A_51 = vector.shape_cast %slice3A_50 : vector<1x64xf32> to vector<64xf32>
    %div3A_52 = arith.constant 1.000000e+04 : f32
    %div3A_53 = vector.broadcast %div3A_52 : f32 to vector<64xf32>
    %div3A_54 = arith.divf %squeeze3A_51, %div3A_53 : vector<64xf32>
    %mul3A_55 = arith.mulf %div3A_49, %div3A_49 : vector<64xf32>
    %sub3A_56 = arith.subf %div3A_54, %mul3A_55 : vector<64xf32>
    %broadcast_in_dim3A_57 = vector.shape_cast %div3A_49 : vector<64xf32> to vector<1x64xf32>
    %sub3A_58 = vector.broadcast %broadcast_in_dim3A_57 : vector<1x64xf32> to vector<1000x64xf32>
    %sub3A_59 = arith.subf %get3A_38, %sub3A_58 : vector<1000x64xf32>
    %broadcast_in_dim3A_60 = vector.shape_cast %sub3A_56 : vector<64xf32> to vector<1x64xf32>
    %add3A_61 = arith.constant 9.99999974E-6 : f32
    %add3A_62 = vector.broadcast %add3A_61 : f32 to vector<1x64xf32>
    %add3A_63 = arith.addf %broadcast_in_dim3A_60, %add3A_62 : vector<1x64xf32>
    %rsqrt3A_64 = math.rsqrt %add3A_63 : vector<1x64xf32>
    %mul3A_65 = vector.broadcast %rsqrt3A_64 : vector<1x64xf32> to vector<1000x64xf32>
    %mul3A_66 = arith.mulf %sub3A_59, %mul3A_65 : vector<1000x64xf32>
    %broadcast_in_dim3A_67 = vector.shape_cast %get3A_42 : vector<64xf32> to vector<1x64xf32>
    %mul3A_68 = vector.broadcast %broadcast_in_dim3A_67 : vector<1x64xf32> to vector<1000x64xf32>
    %mul3A_69 = arith.mulf %mul3A_66, %mul3A_68 : vector<1000x64xf32>
    %broadcast_in_dim3A_70 = vector.shape_cast %get3A_44 : vector<64xf32> to vector<1x64xf32>
    %add3A_71 = vector.broadcast %broadcast_in_dim3A_70 : vector<1x64xf32> to vector<1000x64xf32>
    %add3A_72 = arith.addf %mul3A_69, %add3A_71 : vector<1000x64xf32>
    %max3A_73 = arith.constant 0.000000e+00 : f32
    %max3A_74 = vector.broadcast %max3A_73 : f32 to vector<1000x64xf32>
    %max3A_75 = arith.maximumf %add3A_72, %max3A_74 : vector<1000x64xf32>
    %iota3A = tpu.iota {dimensions = array<i32: 0>} : vector<256x1000xi32>
    %get3A_76 = arith.constant 0 : index
    %get3A_77 = arith.constant 0 : index
    %get3A_78 = arith.constant 0 : index
    %get3A_79 = vector.load %arg8[%get3A_76, %get3A_77, %get3A_78] : memref<1x1x1000xi32, #tpu.memory_space<vmem>>, vector<1x1x1000xi32>
    %squeeze3A_80 = vector.shape_cast %get3A_79 : vector<1x1x1000xi32> to vector<1x1000xi32>
    %eq3A = vector.broadcast %squeeze3A_80 : vector<1x1000xi32> to vector<256x1000xi32>
    %eq3A_81 = arith.cmpi eq, %eq3A, %iota3A : vector<256x1000xi32>
    %convert_element_type3A = arith.extui %eq3A_81 : vector<256x1000xi1> to vector<256x1000xi32>
    %convert_element_type3A_82 = arith.sitofp %convert_element_type3A : vector<256x1000xi32> to vector<256x1000xf32>
    %dot_general3A = arith.constant dense<0.000000e+00> : vector<256x64xf32>
    %dot_general3A_83 = tpu.matmul %convert_element_type3A_82, %max3A_35, %dot_general3A {dimension_numbers = #tpu.dot_dimension_numbers<[1], [0], [0], [1], [0, 0, 1, 1], [], []>, transpose_lhs_hint = false} : vector<256x1000xf32>, vector<1000x64xf32>, vector<256x64xf32> -> vector<256x64xf32>
    %dot_general3A_84 = arith.constant dense<0.000000e+00> : vector<256x64xf32>
    %dot_general3A_85 = tpu.matmul %convert_element_type3A_82, %max3A_75, %dot_general3A_84 {dimension_numbers = #tpu.dot_dimension_numbers<[1], [0], [0], [1], [0, 0, 1, 1], [], []>, transpose_lhs_hint = false} : vector<256x1000xf32>, vector<1000x64xf32>, vector<256x64xf32> -> vector<256x64xf32>
    %stack3A = vector.shape_cast %dot_general3A_83 : vector<256x64xf32> to vector<1x256x64xf32>
    %stack3A_86 = vector.shape_cast %dot_general3A_85 : vector<256x64xf32> to vector<1x256x64xf32>
    %stack3A_87 = tpu.concatenate %stack3A, %stack3A_86 in 0 : vector<1x256x64xf32>, vector<1x256x64xf32> -> vector<2x256x64xf32>
    %broadcast_in_dim3A_88 = vector.shape_cast %stack3A_87 : vector<2x256x64xf32> to vector<1x2x256x64xf32>
    %swap3A = arith.constant 0 : index
    %swap3A_89 = arith.constant 0 : index
    %swap3A_90 = arith.constant 0 : index
    %swap3A_91 = arith.constant 0 : index
    %swap3A_92 = vector.load %arg9[%swap3A, %swap3A_89, %swap3A_90, %swap3A_91] : memref<1x2x256x64xf32, #tpu.memory_space<vmem>>, vector<1x2x256x64xf32>
    tpu.vector_store %arg9[%swap3A, %swap3A_89, %swap3A_90, %swap3A_91], %broadcast_in_dim3A_88 {strides = array<i32>} : memref<1x2x256x64xf32, #tpu.memory_space<vmem>>, vector<1x2x256x64xf32>,
    %reduce_sum3A_93 = arith.constant dense<0.000000e+00> : vector<256xf32>
    %reduce_sum3A_94 = vector.multi_reduction <add>, %convert_element_type3A_82, %reduce_sum3A_93 [1] : vector<256x1000xf32> to vector<256xf32>
    %broadcast_in_dim3A_95 = vector.shape_cast %reduce_sum3A_94 : vector<256xf32> to vector<256x1xf32>
    %broadcast_in_dim3A_96 = vector.shape_cast %broadcast_in_dim3A_95 : vector<256x1xf32> to vector<256x1xf32>
    %broadcast_in_dim3A_97 = vector.broadcast %broadcast_in_dim3A_96 : vector<256x1xf32> to vector<256x16xf32>
    %broadcast_in_dim3A_98 = vector.shape_cast %broadcast_in_dim3A_97 : vector<256x16xf32> to vector<1x256x16xf32>
    %swap3A_99 = arith.constant 0 : index
    %swap3A_100 = arith.constant 0 : index
    %swap3A_101 = arith.constant 0 : index
    %swap3A_102 = vector.load %arg10[%swap3A_99, %swap3A_100, %swap3A_101] : memref<1x256x16xf32, #tpu.memory_space<vmem>>, vector<1x256x16xf32>
    tpu.vector_store %arg10[%swap3A_99, %swap3A_100, %swap3A_101], %broadcast_in_dim3A_98 {strides = array<i32>} : memref<1x256x16xf32, #tpu.memory_space<vmem>>, vector<1x256x16xf32>,
    return
  }
  func.func @transform_0(%arg0: i32) -> (i32, i32) {
    %c0_i32 = arith.constant 0 : i32
    %c0_i32_0 = arith.constant 0 : i32
    return %arg0, %c0_i32 : i32, i32
  }
  func.func @transform_1(%arg0: i32) -> (i32, i32) {
    %c0_i32 = arith.constant 0 : i32
    %c0_i32_0 = arith.constant 0 : i32
    return %arg0, %c0_i32 : i32, i32
  }
  func.func @transform_2(%arg0: i32) -> (i32, i32, i32, i32) {
    %c0_i32 = arith.constant 0 : i32
    %c0_i32_0 = arith.constant 0 : i32
    %c0_i32_1 = arith.constant 0 : i32
    %c0_i32_2 = arith.constant 0 : i32
    %c0_i32_3 = arith.constant 0 : i32
    return %c0_i32, %c0_i32_0, %c0_i32_1, %c0_i32_2 : i32, i32, i32, i32
  }
  func.func @transform_3(%arg0: i32) -> i32 {
    %c0_i32 = arith.constant 0 : i32
    %c0_i32_0 = arith.constant 0 : i32
    return %c0_i32 : i32
  }
  func.func @transform_4(%arg0: i32) -> i32 {
    %c0_i32 = arith.constant 0 : i32
    %c0_i32_0 = arith.constant 0 : i32
    return %c0_i32 : i32
  }
  func.func @transform_5(%arg0: i32) -> i32 {
    %c0_i32 = arith.constant 0 : i32
    %c0_i32_0 = arith.constant 0 : i32
    return %c0_i32 : i32
  }
  func.func @transform_6(%arg0: i32) -> i32 {
    %c0_i32 = arith.constant 0 : i32
    %c0_i32_0 = arith.constant 0 : i32
    return %c0_i32 : i32
  }
  func.func @transform_7(%arg0: i32) -> (i32, i32, i32) {
    %c0_i32 = arith.constant 0 : i32
    %c0_i32_0 = arith.constant 0 : i32
    %c0_i32_1 = arith.constant 0 : i32
    return %arg0, %c0_i32, %c0_i32_0 : i32, i32, i32
  }
  func.func @transform_8(%arg0: i32) -> (i32, i32, i32, i32) {
    %c0_i32 = arith.constant 0 : i32
    %c0_i32_0 = arith.constant 0 : i32
    %c0_i32_1 = arith.constant 0 : i32
    %c0_i32_2 = arith.constant 0 : i32
    return %arg0, %c0_i32, %c0_i32_0, %c0_i32_1 : i32, i32, i32, i32
  }
  func.func @transform_9(%arg0: i32) -> (i32, i32, i32) {
    %c0_i32 = arith.constant 0 : i32
    %c0_i32_0 = arith.constant 0 : i32
    %c0_i32_1 = arith.constant 0 : i32
    return %arg0, %c0_i32, %c0_i32_0 : i32, i32, i32
  }
}

module attributes {stable_mosaic.version = 14 : i64} {
  func.func @_tc4_body(%arg0: i32, %arg1: memref<10x2x256x64xf32, #tpu.memory_space<vmem>>, %arg2: memref<10x256x16xf32, #tpu.memory_space<vmem>>, %arg3: memref<128x64xf32, #tpu.memory_space<vmem>>, %arg4: memref<64xf32, #tpu.memory_space<vmem>>, %arg5: memref<64xf32, #tpu.memory_space<vmem>>, %arg6: memref<64x128xf32, #tpu.memory_space<vmem>>, %arg7: memref<128xf32, #tpu.memory_space<vmem>>, %arg8: memref<256x128xf32, #tpu.memory_space<vmem>>) attributes {dimension_semantics = [#tpu.dimension_semantics<arbitrary>], iteration_bounds = array<i64: 1>, scalar_prefetch = 0 : i64, scratch_operands = 0 : i64, tpu.core_type = #tpu.core_type<tc>, window_params = [{pipeline_mode = #tpu.pipeline_mode<synchronous>, transform_indices = @transform_0, window_bounds = array<i64: 10, 2, 256, 64>}, {pipeline_mode = #tpu.pipeline_mode<synchronous>, transform_indices = @transform_1, window_bounds = array<i64: 10, 256, 16>}, {pipeline_mode = #tpu.pipeline_mode<synchronous>, transform_indices = @transform_2, window_bounds = array<i64: 128, 64>}, {pipeline_mode = #tpu.pipeline_mode<synchronous>, transform_indices = @transform_3, window_bounds = array<i64: 64>}, {pipeline_mode = #tpu.pipeline_mode<synchronous>, transform_indices = @transform_4, window_bounds = array<i64: 64>}, {pipeline_mode = #tpu.pipeline_mode<synchronous>, transform_indices = @transform_5, window_bounds = array<i64: 64, 128>}, {pipeline_mode = #tpu.pipeline_mode<synchronous>, transform_indices = @transform_6, window_bounds = array<i64: 128>}, {pipeline_mode = #tpu.pipeline_mode<synchronous>, transform_indices = @transform_7, window_bounds = array<i64: 256, 128>}]} {
    %get3A = arith.constant 0 : index
    %get3A_0 = arith.constant 0 : index
    %get3A_1 = arith.constant 0 : index
    %get3A_2 = arith.constant 0 : index
    %get3A_3 = vector.load %arg1[%get3A, %get3A_0, %get3A_1, %get3A_2] : memref<10x2x256x64xf32, #tpu.memory_space<vmem>>, vector<10x2x256x64xf32>
    %reduce_sum3A = arith.constant dense<0.000000e+00> : vector<2x256x64xf32>
    %reduce_sum3A_4 = vector.multi_reduction <add>, %get3A_3, %reduce_sum3A [0] : vector<10x2x256x64xf32> to vector<2x256x64xf32>
    %get3A_5 = arith.constant 0 : index
    %get3A_6 = arith.constant 0 : index
    %get3A_7 = arith.constant 0 : index
    %get3A_8 = vector.load %arg2[%get3A_5, %get3A_6, %get3A_7] : memref<10x256x16xf32, #tpu.memory_space<vmem>>, vector<10x256x16xf32>
    %reduce_sum3A_9 = arith.constant dense<0.000000e+00> : vector<256x16xf32>
    %reduce_sum3A_10 = vector.multi_reduction <add>, %get3A_8, %reduce_sum3A_9 [0] : vector<10x256x16xf32> to vector<256x16xf32>
    %slice3A = vector.extract_strided_slice %reduce_sum3A_10 {offsets = [0, 0], sizes = [256, 1], strides = [1, 1]} : vector<256x16xf32> to vector<256x1xf32>
    %max3A = arith.constant 1.000000e+00 : f32
    %max3A_11 = vector.broadcast %max3A : f32 to vector<256x1xf32>
    %max3A_12 = arith.maximumf %slice3A, %max3A_11 : vector<256x1xf32>
    %slice3A_13 = vector.extract_strided_slice %reduce_sum3A_4 {offsets = [0, 0, 0], sizes = [1, 256, 64], strides = [1, 1, 1]} : vector<2x256x64xf32> to vector<1x256x64xf32>
    %squeeze3A = vector.shape_cast %slice3A_13 : vector<1x256x64xf32> to vector<256x64xf32>
    %div3A = vector.broadcast %max3A_12 : vector<256x1xf32> to vector<256x64xf32>
    %div3A_14 = arith.divf %squeeze3A, %div3A : vector<256x64xf32>
    %slice3A_15 = vector.extract_strided_slice %reduce_sum3A_4 {offsets = [1, 0, 0], sizes = [1, 256, 64], strides = [1, 1, 1]} : vector<2x256x64xf32> to vector<1x256x64xf32>
    %squeeze3A_16 = vector.shape_cast %slice3A_15 : vector<1x256x64xf32> to vector<256x64xf32>
    %div3A_17 = vector.broadcast %max3A_12 : vector<256x1xf32> to vector<256x64xf32>
    %div3A_18 = arith.divf %squeeze3A_16, %div3A_17 : vector<256x64xf32>
    %concatenate3A = tpu.concatenate %div3A_14, %div3A_18 in 1 : vector<256x64xf32>, vector<256x64xf32> -> vector<256x128xf32>
    %get3A_19 = arith.constant 0 : index
    %get3A_20 = arith.constant 0 : index
    %get3A_21 = vector.load %arg3[%get3A_19, %get3A_20] : memref<128x64xf32, #tpu.memory_space<vmem>>, vector<128x64xf32>
    %dot_general3A = arith.constant dense<0.000000e+00> : vector<256x64xf32>
    %dot_general3A_22 = tpu.matmul %concatenate3A, %get3A_21, %dot_general3A {dimension_numbers = #tpu.dot_dimension_numbers<[1], [0], [0], [1], [0, 0, 1, 1], [], []>, transpose_lhs_hint = false} : vector<256x128xf32>, vector<128x64xf32>, vector<256x64xf32> -> vector<256x64xf32>
    %reduce_sum3A_23 = arith.constant dense<0.000000e+00> : vector<64xf32>
    %reduce_sum3A_24 = vector.multi_reduction <add>, %dot_general3A_22, %reduce_sum3A_23 [0] : vector<256x64xf32> to vector<64xf32>
    %div3A_25 = arith.constant 2.560000e+02 : f32
    %div3A_26 = vector.broadcast %div3A_25 : f32 to vector<64xf32>
    %div3A_27 = arith.divf %reduce_sum3A_24, %div3A_26 : vector<64xf32>
    %broadcast_in_dim3A = vector.shape_cast %div3A_27 : vector<64xf32> to vector<1x64xf32>
    %sub3A = vector.broadcast %broadcast_in_dim3A : vector<1x64xf32> to vector<256x64xf32>
    %sub3A_28 = arith.subf %dot_general3A_22, %sub3A : vector<256x64xf32>
    %integer_pow3A = arith.mulf %sub3A_28, %sub3A_28 : vector<256x64xf32>
    %reduce_sum3A_29 = arith.constant dense<0.000000e+00> : vector<64xf32>
    %reduce_sum3A_30 = vector.multi_reduction <add>, %integer_pow3A, %reduce_sum3A_29 [0] : vector<256x64xf32> to vector<64xf32>
    %div3A_31 = arith.constant 2.560000e+02 : f32
    %div3A_32 = vector.broadcast %div3A_31 : f32 to vector<64xf32>
    %div3A_33 = arith.divf %reduce_sum3A_30, %div3A_32 : vector<64xf32>
    %broadcast_in_dim3A_34 = vector.shape_cast %div3A_27 : vector<64xf32> to vector<1x64xf32>
    %sub3A_35 = vector.broadcast %broadcast_in_dim3A_34 : vector<1x64xf32> to vector<256x64xf32>
    %sub3A_36 = arith.subf %dot_general3A_22, %sub3A_35 : vector<256x64xf32>
    %broadcast_in_dim3A_37 = vector.shape_cast %div3A_33 : vector<64xf32> to vector<1x64xf32>
    %add3A = arith.constant 9.99999974E-6 : f32
    %add3A_38 = vector.broadcast %add3A : f32 to vector<1x64xf32>
    %add3A_39 = arith.addf %broadcast_in_dim3A_37, %add3A_38 : vector<1x64xf32>
    %rsqrt3A = math.rsqrt %add3A_39 : vector<1x64xf32>
    %mul3A = vector.broadcast %rsqrt3A : vector<1x64xf32> to vector<256x64xf32>
    %mul3A_40 = arith.mulf %sub3A_36, %mul3A : vector<256x64xf32>
    %get3A_41 = arith.constant 0 : index
    %get3A_42 = vector.load %arg4[%get3A_41] : memref<64xf32, #tpu.memory_space<vmem>>, vector<64xf32>
    %broadcast_in_dim3A_43 = vector.shape_cast %get3A_42 : vector<64xf32> to vector<1x64xf32>
    %mul3A_44 = vector.broadcast %broadcast_in_dim3A_43 : vector<1x64xf32> to vector<256x64xf32>
    %mul3A_45 = arith.mulf %mul3A_40, %mul3A_44 : vector<256x64xf32>
    %get3A_46 = arith.constant 0 : index
    %get3A_47 = vector.load %arg5[%get3A_46] : memref<64xf32, #tpu.memory_space<vmem>>, vector<64xf32>
    %broadcast_in_dim3A_48 = vector.shape_cast %get3A_47 : vector<64xf32> to vector<1x64xf32>
    %add3A_49 = vector.broadcast %broadcast_in_dim3A_48 : vector<1x64xf32> to vector<256x64xf32>
    %add3A_50 = arith.addf %mul3A_45, %add3A_49 : vector<256x64xf32>
    %max3A_51 = arith.constant 0.000000e+00 : f32
    %max3A_52 = vector.broadcast %max3A_51 : f32 to vector<256x64xf32>
    %max3A_53 = arith.maximumf %add3A_50, %max3A_52 : vector<256x64xf32>
    %get3A_54 = arith.constant 0 : index
    %get3A_55 = arith.constant 0 : index
    %get3A_56 = vector.load %arg6[%get3A_54, %get3A_55] : memref<64x128xf32, #tpu.memory_space<vmem>>, vector<64x128xf32>
    %dot_general3A_57 = arith.constant dense<0.000000e+00> : vector<256x128xf32>
    %dot_general3A_58 = tpu.matmul %max3A_53, %get3A_56, %dot_general3A_57 {dimension_numbers = #tpu.dot_dimension_numbers<[1], [0], [0], [1], [0, 0, 1, 1], [], []>, transpose_lhs_hint = false} : vector<256x64xf32>, vector<64x128xf32>, vector<256x128xf32> -> vector<256x128xf32>
    %get3A_59 = arith.constant 0 : index
    %get3A_60 = vector.load %arg7[%get3A_59] : memref<128xf32, #tpu.memory_space<vmem>>, vector<128xf32>
    %broadcast_in_dim3A_61 = vector.shape_cast %get3A_60 : vector<128xf32> to vector<1x128xf32>
    %add3A_62 = vector.broadcast %broadcast_in_dim3A_61 : vector<1x128xf32> to vector<256x128xf32>
    %add3A_63 = arith.addf %dot_general3A_58, %add3A_62 : vector<256x128xf32>
    %swap3A = arith.constant 0 : index
    %swap3A_64 = arith.constant 0 : index
    %swap3A_65 = vector.load %arg8[%swap3A, %swap3A_64] : memref<256x128xf32, #tpu.memory_space<vmem>>, vector<256x128xf32>
    tpu.vector_store %arg8[%swap3A, %swap3A_64], %add3A_63 {strides = array<i32>} : memref<256x128xf32, #tpu.memory_space<vmem>>, vector<256x128xf32>,
    return
  }
  func.func @transform_0(%arg0: i32) -> (i32, i32, i32, i32) {
    %c0_i32 = arith.constant 0 : i32
    %c0_i32_0 = arith.constant 0 : i32
    %c0_i32_1 = arith.constant 0 : i32
    %c0_i32_2 = arith.constant 0 : i32
    %c0_i32_3 = arith.constant 0 : i32
    return %c0_i32, %c0_i32_0, %c0_i32_1, %c0_i32_2 : i32, i32, i32, i32
  }
  func.func @transform_1(%arg0: i32) -> (i32, i32, i32) {
    %c0_i32 = arith.constant 0 : i32
    %c0_i32_0 = arith.constant 0 : i32
    %c0_i32_1 = arith.constant 0 : i32
    %c0_i32_2 = arith.constant 0 : i32
    return %c0_i32, %c0_i32_0, %c0_i32_1 : i32, i32, i32
  }
  func.func @transform_2(%arg0: i32) -> (i32, i32) {
    %c0_i32 = arith.constant 0 : i32
    %c0_i32_0 = arith.constant 0 : i32
    %c0_i32_1 = arith.constant 0 : i32
    return %c0_i32, %c0_i32_0 : i32, i32
  }
  func.func @transform_3(%arg0: i32) -> i32 {
    %c0_i32 = arith.constant 0 : i32
    %c0_i32_0 = arith.constant 0 : i32
    return %c0_i32 : i32
  }
  func.func @transform_4(%arg0: i32) -> i32 {
    %c0_i32 = arith.constant 0 : i32
    %c0_i32_0 = arith.constant 0 : i32
    return %c0_i32 : i32
  }
  func.func @transform_5(%arg0: i32) -> (i32, i32) {
    %c0_i32 = arith.constant 0 : i32
    %c0_i32_0 = arith.constant 0 : i32
    %c0_i32_1 = arith.constant 0 : i32
    return %c0_i32, %c0_i32_0 : i32, i32
  }
  func.func @transform_6(%arg0: i32) -> i32 {
    %c0_i32 = arith.constant 0 : i32
    %c0_i32_0 = arith.constant 0 : i32
    return %c0_i32 : i32
  }
  func.func @transform_7(%arg0: i32) -> (i32, i32) {
    %c0_i32 = arith.constant 0 : i32
    %c0_i32_0 = arith.constant 0 : i32
    %c0_i32_1 = arith.constant 0 : i32
    return %c0_i32, %c0_i32_0 : i32, i32
  }
}

</mosaic_0001>

<sc_bundles>
// kernel: kernel.11.cloned.1.call-start
scs
__scs_entry_jumppad:
0x0: {  	(pc) =	sbr.rel $0x88, $3  }
0x1: {  	(tag) =	ssettag $0x0;
	lr =	simm.s32 $0x1  }
0x2: {  	[smem:$0x3F8B] =	sst lr;
	_ =	strace $0xD0000000  }
0x3: {  	_ = 	snop  }
0x4: {  	_ = 	snop  }
0x5: {  	_ = 	snop  }
0x6: {  	_ = 	snop  }
0x7: {  	_ = 	snop  }
__scs_overlays_trampoline_lowered:
0x8: {  	[smem:$0x3F9A] =	sst s0  }
0x9: {  	[smem:$0x3F9B] =	sst s1  }
0xa: {  	[smem:$0x3F9C] =	sst s2  }
0xb: {  	[smem:$0x3F9D] =	sst s3  }
0xc: {  	[smem:$0x3F9E] =	sst s4  }
0xd: {  	[smem:$0x3F9F] =	sst s5  }
0xe: {  	[smem:$0x3FA0] =	sst s6  }
0xf: {  	[smem:$0x3FA1] =	sst s7  }
0x10: {  	[smem:$0x3FA2] =	sst s8  }
0x11: {  	[smem:$0x3FA3] =	sst s9;
	s0 =	simm.s32 @!p0 $0x0  }
0x12: {  	s1 =	sld [smem:$0x3F89];
	s0 =	simm.s32 @p0 $0x1  }
0x13: {  	[smem:$0x3FA4] =	sst s0;
	s0 =	simm.s32 @!p1 $0x0  }
0x14: {  	s2 =	sld [smem:$0x3F88];
	s0 =	simm.s32 @p1 $0x1  }
0x15: {  	[smem:$0x3FA5] =	sst s0;
	s0 =	simm.s32 @!p2 $0x0  }
0x16: {  	s3 =	sld [smem:$0x3FDB];
	s0 =	simm.s32 @p2 $0x1  }
0x17: {  	s4 =	simm.s32 $0x1BF5;
	[smem:$0x3FA7] =	sst s0  }
0x18: {  	s0 =	sld [smem:$0x3F8A];
	_ =	swait.ge [sflag:s4], $0x0  }
0x19: {  	s7 =	sld [smem:$0x3F8B]  }
0x1a: {  	s8 =	sadd.s32 $0xFFFFE003, lr  }
0x1b: {  	s9 =	sadd.s32 $0xFFFFFEF7, lr;
	s5 =	simm.s32 $0xFFFFFFFF;
	p2 =	slt.u32 s8, $0xFFFFF086  }
0x1c: {  	p1 =	slt.u32 s9, $0xF7A;
	s5 =	simm.s32 @!p2 $0x0  }
0x1d: {  	s5 =	simm.s32 @p1 $0x1;
	p0 =	seq.s32 s7, s2  }
0x1e: {  	s7 =	smul.u32 @!p0 $0xF7A, s2;
	p2 =	seq.s32 @!p0 s5, $0x0  }
0x1f: {  	s9 =	smul.u32 $0xF7A, s1;
	s8 =	simm.s32 @!p0 $0x1BF5;
	p2 =	por !p2, p0  }
0x20: {  	[sflag:s8] =	ssyncset.s32 @!p0 $0xFFFFF086;
	s6 =	sadd.s32 @!p0 s3, s7;
	s7 =	simm.s32 @!p0 $0x108  }
0x21: {  	s3 =	sadd.s32 s3, s9;
	s6 =	sadd.s32 @!p0 $0x88, s6;
	s7 =	simm.s32 @p2 $0x1082  }
0x22: {  	[simem:s7], [sflag:s8] =	dma.local @!p0 [hbm:s6], $0xF7A  }
0x23: {  	s9 =	sor.u32 $0xD0000000, s2;
	s6 =	simm.s32 $0x108;
	_ =	swait.ge @!p0 [sflag:s8], $0x0  }
0x24: {  	s3 =	sadd.s32 $0x88, s3;
	s6 =	simm.s32 @!p1 $0x1082;
	[sflag:s4] =	ssyncset.s32 $0xFFFFF086  }
0x25: {  	[simem:s6], [sflag:s4] =	dma.local [hbm:s3], $0xF7A  }
0x26: {  	[smem:$0x3F8B] =	sst s1;
	(tag) =	ssettag s2;
	_ =	strace s9  }
0x27: {  	s1 =	sld [smem:$0x3F9B]  }
0x28: {  	s2 =	sld [smem:$0x3F9C]  }
0x29: {  	s4 =	sld [smem:$0x3F9E]  }
0x2a: {  	p0 =	seq.s32 s5, $0x0;
	s5 =	sld [smem:$0x3F9F]  }
0x2b: {  	s6 =	sld [smem:$0x3FA0]  }
0x2c: {  	s7 =	sld [smem:$0x3FA1]  }
0x2d: {  	s3 =	simm.s32 $0x108;
	s8 =	sld [smem:$0x3FA2]  }
0x2e: {  	s3 =	simm.s32 @!p0 $0x1082;
	s9 =	sld [smem:$0x3FA3]  }
0x2f: {  	lr =	sadd.s32 s0, s3;
	s0 =	sld [smem:$0x3F9A]  }
0x30: {  	s3 =	sld [smem:$0x3F9D]  }
0x31: {  	[smem:$0x3FA6] =	sst s10  }
0x32: {  	s10 =	sld [smem:$0x3FA4];
	_ =	sdelay $0x3  }
0x33: {  	p0 =	seq.s32 s10, $0x1;
	s10 =	sld [smem:$0x3FA6];
	_ =	sdelay $0x3  }
0x34: {  	[smem:$0x3FA6] =	sst s10  }
0x35: {  	s10 =	sld [smem:$0x3FA5];
	_ =	sdelay $0x3  }
0x36: {  	p1 =	seq.s32 s10, $0x1;
	s10 =	sld [smem:$0x3FA6];
	_ =	sdelay $0x3  }
0x37: {  	[smem:$0x3FA6] =	sst s10  }
0x38: {  	s10 =	sld [smem:$0x3FA7]  }
0x39: {  	_ = 	snop;
	(pc) =	sbr.ind lr, $3  }
0x3a: {  	_ = 	snop  }
0x3b: {  	_ = 	snop  }
0x3c: {  	p2 =	seq.s32 s10, $0x1;
	s10 =	sld [smem:$0x3FA6]  }
0x3d: {  	_ =	shalt  }
0x3e: {  	_ =	shalt  }
0x3f: {  	_ =	shalt  }
0x40: {  	_ =	shalt  }
0x41: {  	_ =	shalt  }
0x42: {  	_ =	shalt  }
0x43: {  	_ =	shalt  }
0x44: {  	_ =	shalt  }
0x45: {  	_ =	shalt  }
0x46: {  	_ =	shalt  }
0x47: {  	_ =	shalt  }
0x48: {  	_ =	shalt  }
0x49: {  	_ =	shalt  }
0x4a: {  	_ =	shalt  }
0x4b: {  	_ =	shalt  }
0x4c: {  	_ =	shalt  }
0x4d: {  	_ =	shalt  }
0x4e: {  	_ =	shalt  }
0x4f: {  	_ =	shalt  }
0x50: {  	_ =	shalt  }
0x51: {  	_ =	shalt  }
0x52: {  	_ =	shalt  }
0x53: {  	_ =	shalt  }
0x54: {  	_ =	shalt  }
0x55: {  	_ =	shalt  }
0x56: {  	_ =	shalt  }
0x57: {  	_ =	shalt  }
0x58: {  	_ =	shalt  }
0x59: {  	_ =	shalt  }
0x5a: {  	_ =	shalt  }
0x5b: {  	_ =	shalt  }
0x5c: {  	_ =	shalt  }
0x5d: {  	_ =	shalt  }
0x5e: {  	_ =	shalt  }
0x5f: {  	_ =	shalt  }
0x60: {  	_ =	shalt  }
0x61: {  	_ =	shalt  }
0x62: {  	_ =	shalt  }
0x63: {  	_ =	shalt  }
0x64: {  	_ =	shalt  }
0x65: {  	_ =	shalt  }
0x66: {  	_ =	shalt  }
0x67: {  	_ =	shalt  }
0x68: {  	_ =	shalt  }
0x69: {  	_ =	shalt  }
0x6a: {  	_ =	shalt  }
0x6b: {  	_ =	shalt  }
0x6c: {  	_ =	shalt  }
0x6d: {  	_ =	shalt  }
0x6e: {  	_ =	shalt  }
0x6f: {  	_ =	shalt  }
0x70: {  	_ =	shalt  }
0x71: {  	_ =	shalt  }
0x72: {  	_ =	shalt  }
0x73: {  	_ =	shalt  }
0x74: {  	_ =	shalt  }
0x75: {  	_ =	shalt  }
0x76: {  	_ =	shalt  }
0x77: {  	_ =	shalt  }
0x78: {  	_ =	shalt  }
0x79: {  	_ =	shalt  }
0x7a: {  	_ =	shalt  }
0x7b: {  	_ =	shalt  }
0x7c: {  	_ =	shalt  }
0x7d: {  	_ =	shalt  }
0x7e: {  	_ =	shalt  }
0x7f: {  	_ =	shalt  }
0x80: {  	_ =	shalt  }
0x81: {  	_ =	shalt  }
0x82: {  	_ =	shalt  }
0x83: {  	_ =	shalt  }
0x84: {  	_ =	shalt  }
0x85: {  	_ =	shalt  }
0x86: {  	_ =	shalt  }
0x87: {  	_ =	shalt  }
.Lfunc_end0:
.L_simem_size_0:
called_computation_lowered:
.L_overlay_start_0:
0x88: {  	s2 =	sld [smem:$0x3FD9]  }
0x89: {  	s3 =	sld [smem:$0x3FFE];
	_ =	sdelay $0x1  }
0x8a: {  	s1 =	srdreg.scid  }
0x8b: {  	s0 =	sand.u32 $0x1, s1  }
0x8c: {  	s16 =	sshll.u32 s0, $0xA;
	s2 =	sadd.s32 s3, s2  }
0x8d: {  	s2 =	sadd.s32 s2, s16  }
0x8e: {  	[smem:$0x3FB2] =	sst s2  }
0x8f: {  	_ = 	snop  }
0x90: {  	(tm) =	ssettm $0x1  }
0x91: {  	s17 =	sld [smem:$0x3FFB];
	_ =	sdelay $0x3  }
0x92: {  	_ =	strace s17  }
0x93: {  	s2 =	sld [smem:$0x3FFC];
	_ =	sdelay $0x3  }
0x94: {  	_ =	strace s2  }
0x95: {  	s2 =	sld [smem:$0x3FFD];
	_ =	sdelay $0x3  }
0x96: {  	_ =	strace s2  }
0x97: {  	_ =	strace $0x8FFFFFFF  }
0x98: {  	s18 =	sld [smem:$0x3FDB];
	_ =	sdelay $0x1  }
0x99: {  	s19 =	simm.s32 $_scs_section_size  }
0x9a: {  	s4 =	simm.s32 $_size__tile_overlayer_lowered;
	s5 =	simm.s32 $_tile_overlayer_lowered  }
0x9b: {  	s22 =	simm.s32 $0x1BFF;
	s21 =	sshll.u32 s5, $0x1;
	s2 =	sadd.s32 s19, s18  }
0x9c: {  	s6 =	simm.s32 $0x0;
	s20 =	sshll.u32 s4, $0x1;
	s4 =	sadd.s32 s21, s2  }
0x9d: {  	[timem:s6], [sflag:s22] =	dma.local [hbm:s4], s20  }
0x9e: {  	_ =	swait.ge [sflag:s22], s20  }
0x9f: {  	s3 =	ssub.s32 $0x0, s20;
	[sflag:s22] =	ssyncset.done $0x0  }
0xa0: {  	[sflag:s22] =	ssyncadd.s32 s3;
	_ =	sdelay $0x1  }
0xa1: {  	s23 =	simm.s32 $0x1B8B  }
0xa2: {  	_ =	swait.ge [sflag:s23], $0x1  }
0xa3: {  	[sflag:s23] =	ssyncset.done $0x0  }
0xa4: {  	s25 =	simm.s32 $0x1B8E;
	s24 =	sld [smem:$0x3FFE];
	[sflag:s23] =	ssyncadd.s32 $0xFFFFFFFF  }
0xa5: {  	s26 =	simm.s32 $execute0_lowered;
	[smem:$0x3FD2] =	sst s25  }
0xa6: {  	s4 =	sshll.u32 s26, $0x1;
	_ =	strace $0x80000046;
	[dreg:$0x1] =	wrdreg $0xFFFFFFFF  }
0xa7: {  	s28 =	simm.s32 $_size_execute0_lowered;
	s2 =	sadd.s32 s2, s4;
	[dreg:$0x0] =	wrdreg $0x0  }
0xa8: {  	s4 =	sshll.u32 s28, $0x1;
	[dreg:$0x2] =	wrdreg s2  }
0xa9: {  	[dreg:$0x3] =	wrdreg s4  }
0xaa: {  	[dreg:$0x4] =	wrdreg $0xC0  }
0xab: {  	_ =	task [dreg:s6], $0x5FFFF  }
0xac: {  	[dreg:$0x1] =	wrdreg $0xFFFFFFFF  }
0xad: {  	[dreg:$0x0] =	wrdreg $0x60  }
0xae: {  	[dreg:$0x2] =	wrdreg s24  }
0xaf: {  	[dreg:$0x3] =	wrdreg $0x53200  }
0xb0: {  	[dreg:$0x4] =	wrdreg $0x9  }
0xb1: {  	_ =	task.clear_ibuf [dreg:s6], $0x5FFFF;
	_ =	strace $0x90000046  }
0xb2: {  	s29 =	simm.s32 $0x9;
	_ =	strace $0x80000048  }
0xb3: {  	_ =	swait.ge [sflag:s29], $0x1  }
0xb4: {  	[sflag:s29] =	ssyncadd.s32 $0xFFFFFFFF  }
0xb5: {  	_ =	strace $0x90000048  }
0xb6: {  	_ =	sfence  }
0xb7: {  	s30 =	sld [smem:$0x0];
	_ =	sdelay $0x2  }
0xb8: {  	s31 =	sshll.u32 s1, $0xD;
	s1 =	sshrl.u32 s1, $0x2  }
0xb9: {  	s3 =	sand.u32 $0x4000, s31;
	s1 =	sadd.s32 s1, s30  }
0xba: {  	s0 =	sor.u32 s3, s0;
	s1 =	sshll.u32 s1, $0x11  }
0xbb: {  	s0 =	sor.u32 s1, s0  }
0xbc: {  	s0 =	sadd.s32 $0x8F2B, s0  }
0xbd: {  	[sflag:s0] =	ssyncadd.remote.s32 $0x1  }
0xbe: {  	_ =	sfence.sel $0xFFFF  }
0xbf: {  	[dreg:$0x0] =	wrdreg $0xFFFFFFFF;
	(pc) =	sbr.abs _section_cstart, $3  }
0xc0: {  	[dreg:$0x1] =	wrdreg $0xFFFFFFFF  }
0xc1: {  	_ =	task.clear_ibuf [dreg:s6], $0x2FFFF;
	_ =	strace $0x9FFFFFFF  }
0xc2: {  	(tm) =	ssettm $0x7FFFFFFF  }
0xc3: {  	_ =	shalt  }
tec
execute0_lowered:
.L_overlay_start_1:
0x0: {  	(tag) =	ssettag $0x1  }
0x1: {  	s0 =	srdreg.scid;
	s5 =	rddreg [dreg:$0x0]  }
0x2: {  	s2 =	rddreg [dreg:$0x1];
	s6 =	sand.u32 $0x1, s0  }
0x3: {  	s0 =	stileid.u32;
	s4 =	smul.u32 $0x9C40, s6  }
0x4: {  	s1 =	rddreg [dreg:$0x2];
	s3 =	simm.s32 $0x0;
	s7 =	smul.u32 $0x9C4, s0  }
0x5: {  	s13 =	simm.s32 $0x50;
	[smem:$0x7FF] =	sst s3;
	s8 =	smul.u32 $0x2710, s0  }
0x6: {  	s14 =	simm.s32 $0x0;
	s9 =	smul.u32 $0x4E2, s0;
	_ =	strace $0x80000047  }
0x7: {  	s29 =	smul.u32 $0x4E20, s6;
	s6 =	ssub.s32 $0x2, s6;
	s31 =	sshll.u32 s0, $0x6  }
0x8: {  	s30 =	sshrl.u32 s6, $0x1;
	s4 =	sadd.s32 s7, s4;
	s11 =	sshrl.u32 s8, $0x3  }
0x9: {  	s7 =	sadd.s32 s9, s29;
	s9 =	ssub.s32 s6, s30;
	s12 =	sadd.s32 s8, s2  }
0xa: {  	s10 =	sadd.s32 s4, s5;
	s4 =	sadd.s32 $0x1D000, s5;
	s11 =	sadd.s32 s11, s5  }
0xb: {  	s7 =	sadd.s32 s7, s5;
	s8 =	smax.u32 s9, $0x1;
	s9 =	simm.s32 $0x1  }
0xc: {  	s12 =	sshrl.u32 s12, $0x3;
	s5 =	sadd.s32 $0x4600, s10;
	s6 =	sadd.s32 $0x18000, s11  }
0xd: {  	s7 =	sadd.s32 $0x1D200, s7;
	s10 =	simm.s32 $0x4E20;
	s11 =	sor.u32 $0x1C01, s31  }
.LBB2_1:
0xe: {  	[tilespmem:s3], [sflag:$0x1] =	stream.linear.gather [hbm4b:s5+s3], $0x4E20, $0x38;
	[tilespmem:$0x7A30] =	vst v63  }
0xf: {  	_ =	swait.ge [sflag:s9], $0x4E20  }
0x10: {  	[sflag:s9] =	ssyncset.done $0x0  }
0x11: {  	[sflag:s9] =	ssyncadd.s32 $0xFFFFB1E0  }
0x12: {  	[tilespmem:s10], [sflag:$0x1] =	stream.linear.gather [hbm4b:s4+s3], $0x500, $0x38;
	[tilespmem:$0x7A30] =	vst v63  }
0x13: {  	_ =	swait.ge [sflag:s9], $0x500  }
0x14: {  	[sflag:s9] =	ssyncset.done $0x0  }
0x15: {  	[sflag:s9] =	ssyncadd.s32 $0xFFFFFB00  }
0x16: {  	[spmem:s12], [sflag:s11] =	dma.local [hbm:s6], $0x4E2  }
0x17: {  	_ =	swait.ge [sflag:s9], $0x4E2  }
0x18: {  	[sflag:s9] =	ssyncset.done $0x0  }
0x19: {  	[sflag:s9] =	ssyncadd.s32 $0xFFFFFB1E  }
0x1a: {  	s15 =	simm.s32 $0x0;
	[bflag:$0x0] =	sbarrier.arrive $0xFFFF  }
0x1b: {  	[spmem:s2] =	stream.indirect.scatter.add.f32 [tilespmem:s10], [sflag:$0x1], $0x10, s15, s13, $0xb8;
	[tilespmem:$0x7A30] =	vst v63  }
0x1c: {  	_ =	swait.ge [sflag:s9], $0x500  }
0x1d: {  	s15 =	simm.s32 $0x140;
	[sflag:s9] =	ssyncset.done $0x0  }
.LBB2_2:
0x1e: {  	s16 =	sshra.s32 s15, $0x2;
	[sflag:s9] =	ssyncadd.s32 $0xFFFFFB00;
	p0 =	sne.s32 s15, $0x13740  }
0x1f: {  	[spmem:s2] =	stream.indirect.scatter.add.f32 [tilespmem:s10], [sflag:$0x1], $0x10, s16, s13, $0xb8;
	[tilespmem:$0x7A30] =	vst v63  }
.Ltmp0:
0x20: {  	_ = 	snop;
	(pc) =	sbr.rel @p0 .LBB2_2-.Ltmp0, $4  }
0x21: {  	_ = 	snop  }
0x22: {  	s15 =	sadd.s32 $0x140, s15  }
0x23: {  	_ =	swait.ge [sflag:s9], $0x500  }
0x24: {  	[sflag:s9] =	ssyncset.done $0x0  }
0x25: {  	s14 =	sadd.s32 $0x1, s14  }
0x26: {  	[sflag:s9] =	ssyncadd.s32 $0xFFFFFB00;
	p0 =	sne.s32 s14, s8  }
.Ltmp1:
0x27: {  	[bflag:$0x0] =	sbarrier.arrive $0xFFFF;
	(pc) =	sbr.rel @p0 .LBB2_1-.Ltmp1, $4  }
0x28: {  	[hbm:s7], [sflag:s11] =	dma.local [spmem:s12], $0x4E2  }
0x29: {  	_ =	swait.ge [sflag:s9], $0x4E2  }
0x2a: {  	[sflag:s9] =	ssyncset.done $0x0  }
0x2b: {  	[sflag:s9] =	ssyncadd.s32 $0xFFFFFB1E  }
0x2c: {  	_ =	sfence.sel $0x180000  }
0x2d: {  	[bflag:$0x0] =	sbarrier.arrive $0xFFFF  }
0x2e: {  	p0 =	sne.s32 s0, $0x0;
	_ =	strace $0x90000047  }
0x2f: {  	s0 =	sadd.s32 @!p0 $0x100000, s1;
	[bflag:$0x2] =	sbarrier.arrive $0xFFFF  }
0x30: {  	[sflag:s0] =	ssyncadd.tile.s32 @!p0 $0x1;
	_ =	shalt  }
.Lfunc_end2:
_tile_overlayer_lowered:
.L_overlay_start_2:
0x31: {  	(tag) =	ssettag $0x2  }
0x32: {  	s0 =	rddreg [dreg:$0x0];
	s2 =	stileid.u32  }
0x33: {  	s1 =	rddreg [dreg:$0x1];
	p0 =	sne.s32 s2, $0x0  }
0x34: {  	s3 =	rddreg [dreg:$0x2];
	[bflag:$0x3] =	sbarrier.arrive $0xFFFF;
	s2 =	simm.s32 @!p0 $0x1C01  }
0x35: {  	[timem:s3], [sflag:s2] =	dma.local @!p0 [hbm:s0], s1  }
0x36: {  	s0 =	simm.s32 @!p0 $0x1  }
0x37: {  	_ =	swait.ge @!p0 [sflag:s0], s1  }
0x38: {  	s1 =	ssub.s32 @!p0 $0x0, s1;
	[sflag:s0] =	ssyncset.done @!p0 $0x0  }
0x39: {  	[sflag:s0] =	ssyncadd.s32 @!p0 s1  }
0x3a: {  	[bflag:$0x3] =	sbarrier.arrive $0xFFFF  }
0x3b: {  	_ =	shalt  }

// kernel: kernel.14.cloned.1.call-start
scs
__scs_entry_jumppad:
0x0: {  	(pc) =	sbr.rel $0x88, $3  }
0x1: {  	(tag) =	ssettag $0x0;
	lr =	simm.s32 $0x1  }
0x2: {  	[smem:$0x3F8B] =	sst lr;
	_ =	strace $0xD0000000  }
0x3: {  	_ = 	snop  }
0x4: {  	_ = 	snop  }
0x5: {  	_ = 	snop  }
0x6: {  	_ = 	snop  }
0x7: {  	_ = 	snop  }
__scs_overlays_trampoline_lowered:
0x8: {  	[smem:$0x3F9A] =	sst s0  }
0x9: {  	[smem:$0x3F9B] =	sst s1  }
0xa: {  	[smem:$0x3F9C] =	sst s2  }
0xb: {  	[smem:$0x3F9D] =	sst s3  }
0xc: {  	[smem:$0x3F9E] =	sst s4  }
0xd: {  	[smem:$0x3F9F] =	sst s5  }
0xe: {  	[smem:$0x3FA0] =	sst s6  }
0xf: {  	[smem:$0x3FA1] =	sst s7  }
0x10: {  	[smem:$0x3FA2] =	sst s8  }
0x11: {  	[smem:$0x3FA3] =	sst s9;
	s0 =	simm.s32 @!p0 $0x0  }
0x12: {  	s1 =	sld [smem:$0x3F89];
	s0 =	simm.s32 @p0 $0x1  }
0x13: {  	[smem:$0x3FA4] =	sst s0;
	s0 =	simm.s32 @!p1 $0x0  }
0x14: {  	s2 =	sld [smem:$0x3F88];
	s0 =	simm.s32 @p1 $0x1  }
0x15: {  	[smem:$0x3FA5] =	sst s0;
	s0 =	simm.s32 @!p2 $0x0  }
0x16: {  	s3 =	sld [smem:$0x3FDB];
	s0 =	simm.s32 @p2 $0x1  }
0x17: {  	s4 =	simm.s32 $0x1BF5;
	[smem:$0x3FA7] =	sst s0  }
0x18: {  	s0 =	sld [smem:$0x3F8A];
	_ =	swait.ge [sflag:s4], $0x0  }
0x19: {  	s7 =	sld [smem:$0x3F8B]  }
0x1a: {  	s8 =	sadd.s32 $0xFFFFE003, lr  }
0x1b: {  	s9 =	sadd.s32 $0xFFFFFEF7, lr;
	s5 =	simm.s32 $0xFFFFFFFF;
	p2 =	slt.u32 s8, $0xFFFFF086  }
0x1c: {  	p1 =	slt.u32 s9, $0xF7A;
	s5 =	simm.s32 @!p2 $0x0  }
0x1d: {  	s5 =	simm.s32 @p1 $0x1;
	p0 =	seq.s32 s7, s2  }
0x1e: {  	s7 =	smul.u32 @!p0 $0xF7A, s2;
	p2 =	seq.s32 @!p0 s5, $0x0  }
0x1f: {  	s9 =	smul.u32 $0xF7A, s1;
	s8 =	simm.s32 @!p0 $0x1BF5;
	p2 =	por !p2, p0  }
0x20: {  	[sflag:s8] =	ssyncset.s32 @!p0 $0xFFFFF086;
	s6 =	sadd.s32 @!p0 s3, s7;
	s7 =	simm.s32 @!p0 $0x108  }
0x21: {  	s3 =	sadd.s32 s3, s9;
	s6 =	sadd.s32 @!p0 $0x88, s6;
	s7 =	simm.s32 @p2 $0x1082  }
0x22: {  	[simem:s7], [sflag:s8] =	dma.local @!p0 [hbm:s6], $0xF7A  }
0x23: {  	s9 =	sor.u32 $0xD0000000, s2;
	s6 =	simm.s32 $0x108;
	_ =	swait.ge @!p0 [sflag:s8], $0x0  }
0x24: {  	s3 =	sadd.s32 $0x88, s3;
	s6 =	simm.s32 @!p1 $0x1082;
	[sflag:s4] =	ssyncset.s32 $0xFFFFF086  }
0x25: {  	[simem:s6], [sflag:s4] =	dma.local [hbm:s3], $0xF7A  }
0x26: {  	[smem:$0x3F8B] =	sst s1;
	(tag) =	ssettag s2;
	_ =	strace s9  }
0x27: {  	s1 =	sld [smem:$0x3F9B]  }
0x28: {  	s2 =	sld [smem:$0x3F9C]  }
0x29: {  	s4 =	sld [smem:$0x3F9E]  }
0x2a: {  	p0 =	seq.s32 s5, $0x0;
	s5 =	sld [smem:$0x3F9F]  }
0x2b: {  	s6 =	sld [smem:$0x3FA0]  }
0x2c: {  	s7 =	sld [smem:$0x3FA1]  }
0x2d: {  	s3 =	simm.s32 $0x108;
	s8 =	sld [smem:$0x3FA2]  }
0x2e: {  	s3 =	simm.s32 @!p0 $0x1082;
	s9 =	sld [smem:$0x3FA3]  }
0x2f: {  	lr =	sadd.s32 s0, s3;
	s0 =	sld [smem:$0x3F9A]  }
0x30: {  	s3 =	sld [smem:$0x3F9D]  }
0x31: {  	[smem:$0x3FA6] =	sst s10  }
0x32: {  	s10 =	sld [smem:$0x3FA4];
	_ =	sdelay $0x3  }
0x33: {  	p0 =	seq.s32 s10, $0x1;
	s10 =	sld [smem:$0x3FA6];
	_ =	sdelay $0x3  }
0x34: {  	[smem:$0x3FA6] =	sst s10  }
0x35: {  	s10 =	sld [smem:$0x3FA5];
	_ =	sdelay $0x3  }
0x36: {  	p1 =	seq.s32 s10, $0x1;
	s10 =	sld [smem:$0x3FA6];
	_ =	sdelay $0x3  }
0x37: {  	[smem:$0x3FA6] =	sst s10  }
0x38: {  	s10 =	sld [smem:$0x3FA7]  }
0x39: {  	_ = 	snop;
	(pc) =	sbr.ind lr, $3  }
0x3a: {  	_ = 	snop  }
0x3b: {  	_ = 	snop  }
0x3c: {  	p2 =	seq.s32 s10, $0x1;
	s10 =	sld [smem:$0x3FA6]  }
0x3d: {  	_ =	shalt  }
0x3e: {  	_ =	shalt  }
0x3f: {  	_ =	shalt  }
0x40: {  	_ =	shalt  }
0x41: {  	_ =	shalt  }
0x42: {  	_ =	shalt  }
0x43: {  	_ =	shalt  }
0x44: {  	_ =	shalt  }
0x45: {  	_ =	shalt  }
0x46: {  	_ =	shalt  }
0x47: {  	_ =	shalt  }
0x48: {  	_ =	shalt  }
0x49: {  	_ =	shalt  }
0x4a: {  	_ =	shalt  }
0x4b: {  	_ =	shalt  }
0x4c: {  	_ =	shalt  }
0x4d: {  	_ =	shalt  }
0x4e: {  	_ =	shalt  }
0x4f: {  	_ =	shalt  }
0x50: {  	_ =	shalt  }
0x51: {  	_ =	shalt  }
0x52: {  	_ =	shalt  }
0x53: {  	_ =	shalt  }
0x54: {  	_ =	shalt  }
0x55: {  	_ =	shalt  }
0x56: {  	_ =	shalt  }
0x57: {  	_ =	shalt  }
0x58: {  	_ =	shalt  }
0x59: {  	_ =	shalt  }
0x5a: {  	_ =	shalt  }
0x5b: {  	_ =	shalt  }
0x5c: {  	_ =	shalt  }
0x5d: {  	_ =	shalt  }
0x5e: {  	_ =	shalt  }
0x5f: {  	_ =	shalt  }
0x60: {  	_ =	shalt  }
0x61: {  	_ =	shalt  }
0x62: {  	_ =	shalt  }
0x63: {  	_ =	shalt  }
0x64: {  	_ =	shalt  }
0x65: {  	_ =	shalt  }
0x66: {  	_ =	shalt  }
0x67: {  	_ =	shalt  }
0x68: {  	_ =	shalt  }
0x69: {  	_ =	shalt  }
0x6a: {  	_ =	shalt  }
0x6b: {  	_ =	shalt  }
0x6c: {  	_ =	shalt  }
0x6d: {  	_ =	shalt  }
0x6e: {  	_ =	shalt  }
0x6f: {  	_ =	shalt  }
0x70: {  	_ =	shalt  }
0x71: {  	_ =	shalt  }
0x72: {  	_ =	shalt  }
0x73: {  	_ =	shalt  }
0x74: {  	_ =	shalt  }
0x75: {  	_ =	shalt  }
0x76: {  	_ =	shalt  }
0x77: {  	_ =	shalt  }
0x78: {  	_ =	shalt  }
0x79: {  	_ =	shalt  }
0x7a: {  	_ =	shalt  }
0x7b: {  	_ =	shalt  }
0x7c: {  	_ =	shalt  }
0x7d: {  	_ =	shalt  }
0x7e: {  	_ =	shalt  }
0x7f: {  	_ =	shalt  }
0x80: {  	_ =	shalt  }
0x81: {  	_ =	shalt  }
0x82: {  	_ =	shalt  }
0x83: {  	_ =	shalt  }
0x84: {  	_ =	shalt  }
0x85: {  	_ =	shalt  }
0x86: {  	_ =	shalt  }
0x87: {  	_ =	shalt  }
.Lfunc_end0:
.L_simem_size_0:
called_computation.1_lowered:
.L_overlay_start_0:
0x88: {  	s2 =	sld [smem:$0x3FD9]  }
0x89: {  	s3 =	sld [smem:$0x3FFE];
	_ =	sdelay $0x1  }
0x8a: {  	s1 =	srdreg.scid  }
0x8b: {  	s0 =	sand.u32 $0x1, s1  }
0x8c: {  	s16 =	sshll.u32 s0, $0xA;
	s2 =	sadd.s32 s3, s2  }
0x8d: {  	s2 =	sadd.s32 s2, s16  }
0x8e: {  	[smem:$0x3FB2] =	sst s2  }
0x8f: {  	_ = 	snop  }
0x90: {  	(tm) =	ssettm $0x1  }
0x91: {  	s17 =	sld [smem:$0x3FFB];
	_ =	sdelay $0x3  }
0x92: {  	_ =	strace s17  }
0x93: {  	s2 =	sld [smem:$0x3FFC];
	_ =	sdelay $0x3  }
0x94: {  	_ =	strace s2  }
0x95: {  	s2 =	sld [smem:$0x3FFD];
	_ =	sdelay $0x3  }
0x96: {  	_ =	strace s2  }
0x97: {  	_ =	strace $0x8FFFFFFF  }
0x98: {  	s18 =	sld [smem:$0x3FDB];
	_ =	sdelay $0x1  }
0x99: {  	s19 =	simm.s32 $_scs_section_size  }
0x9a: {  	s4 =	simm.s32 $_size__tile_overlayer_lowered;
	s5 =	simm.s32 $_tile_overlayer_lowered  }
0x9b: {  	s22 =	simm.s32 $0x1BFF;
	s21 =	sshll.u32 s5, $0x1;
	s2 =	sadd.s32 s19, s18  }
0x9c: {  	s6 =	simm.s32 $0x0;
	s20 =	sshll.u32 s4, $0x1;
	s4 =	sadd.s32 s21, s2  }
0x9d: {  	[timem:s6], [sflag:s22] =	dma.local [hbm:s4], s20  }
0x9e: {  	_ =	swait.ge [sflag:s22], s20  }
0x9f: {  	s3 =	ssub.s32 $0x0, s20;
	[sflag:s22] =	ssyncset.done $0x0  }
0xa0: {  	[sflag:s22] =	ssyncadd.s32 s3;
	_ =	sdelay $0x1  }
0xa1: {  	s23 =	simm.s32 $0x1B8B  }
0xa2: {  	_ =	swait.ge [sflag:s23], $0x1  }
0xa3: {  	[sflag:s23] =	ssyncset.done $0x0  }
0xa4: {  	s25 =	simm.s32 $0x1B8E;
	s24 =	sld [smem:$0x3FFE];
	[sflag:s23] =	ssyncadd.s32 $0xFFFFFFFF  }
0xa5: {  	s26 =	simm.s32 $execute0_lowered;
	[smem:$0x3FD2] =	sst s25  }
0xa6: {  	s4 =	sshll.u32 s26, $0x1;
	_ =	strace $0x80000049;
	[dreg:$0x1] =	wrdreg $0xFFFFFFFF  }
0xa7: {  	s28 =	simm.s32 $_size_execute0_lowered;
	s2 =	sadd.s32 s2, s4;
	[dreg:$0x0] =	wrdreg $0x0  }
0xa8: {  	s4 =	sshll.u32 s28, $0x1;
	[dreg:$0x2] =	wrdreg s2  }
0xa9: {  	[dreg:$0x3] =	wrdreg s4  }
0xaa: {  	[dreg:$0x4] =	wrdreg $0xC0  }
0xab: {  	_ =	task [dreg:s6], $0x5FFFF  }
0xac: {  	[dreg:$0x1] =	wrdreg $0xFFFFFFFF  }
0xad: {  	[dreg:$0x0] =	wrdreg $0x60  }
0xae: {  	[dreg:$0x2] =	wrdreg s24  }
0xaf: {  	[dreg:$0x3] =	wrdreg $0xC4400  }
0xb0: {  	[dreg:$0x4] =	wrdreg $0x9  }
0xb1: {  	_ =	task.clear_ibuf [dreg:s6], $0x5FFFF;
	_ =	strace $0x90000049  }
0xb2: {  	s29 =	simm.s32 $0x9;
	_ =	strace $0x8000004B  }
0xb3: {  	_ =	swait.ge [sflag:s29], $0x1  }
0xb4: {  	[sflag:s29] =	ssyncadd.s32 $0xFFFFFFFF  }
0xb5: {  	_ =	strace $0x9000004B  }
0xb6: {  	_ =	sfence  }
0xb7: {  	s30 =	sld [smem:$0x0];
	_ =	sdelay $0x2  }
0xb8: {  	s31 =	sshll.u32 s1, $0xD;
	s1 =	sshrl.u32 s1, $0x2  }
0xb9: {  	s3 =	sand.u32 $0x4000, s31;
	s1 =	sadd.s32 s1, s30  }
0xba: {  	s0 =	sor.u32 s3, s0;
	s1 =	sshll.u32 s1, $0x11  }
0xbb: {  	s0 =	sor.u32 s1, s0  }
0xbc: {  	s0 =	sadd.s32 $0x8F2B, s0  }
0xbd: {  	[sflag:s0] =	ssyncadd.remote.s32 $0x1  }
0xbe: {  	_ =	sfence.sel $0xFFFF  }
0xbf: {  	[dreg:$0x0] =	wrdreg $0xFFFFFFFF;
	(pc) =	sbr.abs _section_cstart, $3  }
0xc0: {  	[dreg:$0x1] =	wrdreg $0xFFFFFFFF  }
0xc1: {  	_ =	task.clear_ibuf [dreg:s6], $0x2FFFF;
	_ =	strace $0x9FFFFFFF  }
0xc2: {  	(tm) =	ssettm $0x7FFFFFFF  }
0xc3: {  	_ =	shalt  }
tec
execute0_lowered:
.L_overlay_start_1:
0x0: {  	(tag) =	ssettag $0x1  }
0x1: {  	s0 =	srdreg.scid  }
0x2: {  	s5 =	sand.u32 $0x1, s0  }
0x3: {  	s0 =	stileid.u32;
	s4 =	smul.u32 $0x4E200, s5  }
0x4: {  	s6 =	rddreg [dreg:$0x0];
	s7 =	smul.u32 $0x4E20, s0  }
0x5: {  	s2 =	rddreg [dreg:$0x1];
	s8 =	smul.u32 $0x9C40, s5  }
0x6: {  	s1 =	rddreg [dreg:$0x2];
	s9 =	smul.u32 $0x9C4, s0  }
0x7: {  	s3 =	simm.s32 $0x0;
	s15 =	simm.s32 $0x9C40;
	s10 =	smul.u32 $0x13880, s0  }
0x8: {  	s16 =	simm.s32 $0x0;
	[smem:$0x7FF] =	sst s3;
	s25 =	smul.u32 $0x2710, s0  }
0x9: {  	_ =	strace $0x8000004A;
	s26 =	smul.u32 $0x27100, s5;
	s5 =	ssub.s32 $0x2, s5  }
0xa: {  	s31 =	sshll.u32 s0, $0x6;
	s30 =	sshrl.u32 s5, $0x1;
	s4 =	sadd.s32 s7, s4  }
0xb: {  	s8 =	sadd.s32 s9, s8;
	s12 =	sshrl.u32 s10, $0x3;
	s7 =	sadd.s32 s25, s26  }
0xc: {  	s13 =	ssub.s32 s5, s30;
	s14 =	sadd.s32 s10, s2;
	s10 =	simm.s32 $0x1  }
0xd: {  	s11 =	sshrl.u32 s4, $0x3;
	s4 =	sadd.s32 $0xD7200, s6;
	s8 =	sadd.s32 s8, s6  }
0xe: {  	s28 =	sadd.s32 s12, s6;
	s29 =	sadd.s32 s7, s6;
	s9 =	smax.u32 s13, $0x1  }
0xf: {  	s12 =	sor.u32 $0x1C01, s31;
	s13 =	sshrl.u32 s14, $0x3;
	s14 =	simm.s32 $0x50  }
0x10: {  	s11 =	sadd.s32 s11, s6;
	s6 =	sadd.s32 $0x4600, s8;
	s7 =	sadd.s32 $0x125400, s28  }
0x11: {  	s8 =	sadd.s32 $0x14C600, s29;
	s5 =	sadd.s32 $0x27000, s11;
	s11 =	simm.s32 $0x4E20  }
.LBB2_1:
0x12: {  	[tilespmem:s3], [sflag:$0x1] =	stream.linear.gather [hbm4b:s5+s3], $0x4E20, $0x38;
	[tilespmem:$0x1FCC0] =	vst v63  }
0x13: {  	_ =	swait.ge [sflag:s10], $0x4E20  }
0x14: {  	[sflag:s10] =	ssyncset.done $0x0  }
0x15: {  	[sflag:s10] =	ssyncadd.s32 $0xFFFFB1E0  }
0x16: {  	[tilespmem:s11], [sflag:$0x1] =	stream.linear.gather [hbm4b:s6+s3], $0x4E20, $0x38;
	[tilespmem:$0x1FCC0] =	vst v63  }
0x17: {  	_ =	swait.ge [sflag:s10], $0x4E20  }
0x18: {  	[sflag:s10] =	ssyncset.done $0x0  }
0x19: {  	[sflag:s10] =	ssyncadd.s32 $0xFFFFB1E0  }
0x1a: {  	[spmem:s13], [sflag:s12] =	dma.local [hbm:s7], $0x2710  }
0x1b: {  	_ =	swait.ge [sflag:s10], $0x2710  }
0x1c: {  	[sflag:s10] =	ssyncset.done $0x0  }
0x1d: {  	[sflag:s10] =	ssyncadd.s32 $0xFFFFD8F0  }
0x1e: {  	s17 =	simm.s32 $0x0;
	[bflag:$0x0] =	sbarrier.arrive $0xFFFF  }
0x1f: {  	[tilespmem:s15], [sflag:$0x1] =	stream.indirect.gather [hbm4b:s4+s14], $0x80, s17, s14, $0xb8;
	[tilespmem:$0x1FCC0] =	vst v63  }
0x20: {  	_ =	swait.ge [sflag:s10], $0x2800  }
0x21: {  	[sflag:s10] =	ssyncset.done $0x0  }
0x22: {  	s31 =	simm.s32 $0x4E20;
	[sflag:s10] =	ssyncadd.s32 $0xFFFFD800  }
0x23: {  	[spmem:s2] =	stream.indirect.scatter.add.f32 [tilespmem:s15], [sflag:$0x1], $0x80, s31, s14, $0xb8;
	[tilespmem:$0x1FCC0] =	vst v63  }
0x24: {  	_ =	swait.ge [sflag:s10], $0x2800  }
0x25: {  	s18 =	simm.s32 $0x280;
	s17 =	simm.s32 $0x140;
	[sflag:s10] =	ssyncset.done $0x0  }
.LBB2_2:
0x26: {  	s19 =	sshra.s32 s17, $0x2  }
0x27: {  	[sflag:s10] =	ssyncadd.s32 $0xFFFFD800;
	s17 =	smov.u32 s18;
	s20 =	sadd.s32 $0x140, s18  }
0x28: {  	[tilespmem:s15], [sflag:$0x1] =	stream.indirect.gather [hbm4b:s4+s14], $0x80, s19, s14, $0xb8;
	[tilespmem:$0x1FCC0] =	vst v63  }
0x29: {  	p0 =	sne.s32 s18, $0x13740;
	_ =	swait.ge [sflag:s10], $0x2800  }
.Ltmp0:
0x2a: {  	[sflag:s10] =	ssyncset.done $0x0;
	(pc) =	sbr.rel @p0 .LBB2_2-.Ltmp0, $4  }
0x2b: {  	s18 =	sadd.s32 $0x4E20, s19;
	[sflag:s10] =	ssyncadd.s32 $0xFFFFD800  }
0x2c: {  	[spmem:s2] =	stream.indirect.scatter.add.f32 [tilespmem:s15], [sflag:$0x1], $0x80, s18, s14, $0xb8;
	[tilespmem:$0x1FCC0] =	vst v63  }
0x2d: {  	_ =	swait.ge [sflag:s10], $0x2800  }
0x2e: {  	s18 =	smov.u32 s20;
	[sflag:s10] =	ssyncset.done $0x0  }
0x2f: {  	s17 =	sshra.s32 s17, $0x2;
	[sflag:s10] =	ssyncadd.s32 $0xFFFFD800  }
0x30: {  	[tilespmem:s15], [sflag:$0x1] =	stream.indirect.gather [hbm4b:s4+s14], $0x80, s17, s14, $0xb8;
	[tilespmem:$0x1FCC0] =	vst v63  }
0x31: {  	_ =	swait.ge [sflag:s10], $0x2800  }
0x32: {  	[sflag:s10] =	ssyncset.done $0x0  }
0x33: {  	s17 =	sadd.s32 $0x4E20, s17;
	[sflag:s10] =	ssyncadd.s32 $0xFFFFD800  }
0x34: {  	[spmem:s2] =	stream.indirect.scatter.add.f32 [tilespmem:s15], [sflag:$0x1], $0x80, s17, s14, $0xb8;
	[tilespmem:$0x1FCC0] =	vst v63  }
0x35: {  	_ =	swait.ge [sflag:s10], $0x2800  }
0x36: {  	s16 =	sadd.s32 $0x1, s16;
	[sflag:s10] =	ssyncset.done $0x0  }
0x37: {  	p0 =	sne.s32 s16, s9;
	[sflag:s10] =	ssyncadd.s32 $0xFFFFD800  }
.Ltmp1:
0x38: {  	[bflag:$0x0] =	sbarrier.arrive $0xFFFF;
	(pc) =	sbr.rel @p0 .LBB2_1-.Ltmp1, $4  }
0x39: {  	[hbm:s8], [sflag:s12] =	dma.local [spmem:s13], $0x2710  }
0x3a: {  	_ =	swait.ge [sflag:s10], $0x2710  }
0x3b: {  	[sflag:s10] =	ssyncset.done $0x0  }
0x3c: {  	[sflag:s10] =	ssyncadd.s32 $0xFFFFD8F0  }
0x3d: {  	_ =	sfence.sel $0x180000  }
0x3e: {  	[bflag:$0x0] =	sbarrier.arrive $0xFFFF  }
0x3f: {  	p0 =	sne.s32 s0, $0x0;
	_ =	strace $0x9000004A  }
0x40: {  	s0 =	sadd.s32 @!p0 $0x100000, s1;
	[bflag:$0x2] =	sbarrier.arrive $0xFFFF  }
0x41: {  	[sflag:s0] =	ssyncadd.tile.s32 @!p0 $0x1;
	_ =	shalt  }
.Lfunc_end2:
_tile_overlayer_lowered:
.L_overlay_start_2:
0x42: {  	(tag) =	ssettag $0x2  }
0x43: {  	s0 =	rddreg [dreg:$0x0];
	s2 =	stileid.u32  }
0x44: {  	s1 =	rddreg [dreg:$0x1];
	p0 =	sne.s32 s2, $0x0  }
0x45: {  	s3 =	rddreg [dreg:$0x2];
	[bflag:$0x3] =	sbarrier.arrive $0xFFFF;
	s2 =	simm.s32 @!p0 $0x1C01  }
0x46: {  	[timem:s3], [sflag:s2] =	dma.local @!p0 [hbm:s0], s1  }
0x47: {  	s0 =	simm.s32 @!p0 $0x1  }
0x48: {  	_ =	swait.ge @!p0 [sflag:s0], s1  }
0x49: {  	s1 =	ssub.s32 @!p0 $0x0, s1;
	[sflag:s0] =	ssyncset.done @!p0 $0x0  }
0x4a: {  	[sflag:s0] =	ssyncadd.s32 @!p0 s1  }
0x4b: {  	[bflag:$0x3] =	sbarrier.arrive $0xFFFF  }
0x4c: {  	_ =	shalt  }

// kernel: kernel.17.cloned.1.call-start
scs
__scs_entry_jumppad:
0x0: {  	(pc) =	sbr.rel $0x88, $3  }
0x1: {  	(tag) =	ssettag $0x0;
	lr =	simm.s32 $0x1  }
0x2: {  	[smem:$0x3F8B] =	sst lr;
	_ =	strace $0xD0000000  }
0x3: {  	_ = 	snop  }
0x4: {  	_ = 	snop  }
0x5: {  	_ = 	snop  }
0x6: {  	_ = 	snop  }
0x7: {  	_ = 	snop  }
__scs_overlays_trampoline_lowered:
0x8: {  	[smem:$0x3F9A] =	sst s0  }
0x9: {  	[smem:$0x3F9B] =	sst s1  }
0xa: {  	[smem:$0x3F9C] =	sst s2  }
0xb: {  	[smem:$0x3F9D] =	sst s3  }
0xc: {  	[smem:$0x3F9E] =	sst s4  }
0xd: {  	[smem:$0x3F9F] =	sst s5  }
0xe: {  	[smem:$0x3FA0] =	sst s6  }
0xf: {  	[smem:$0x3FA1] =	sst s7  }
0x10: {  	[smem:$0x3FA2] =	sst s8  }
0x11: {  	[smem:$0x3FA3] =	sst s9;
	s0 =	simm.s32 @!p0 $0x0  }
0x12: {  	s1 =	sld [smem:$0x3F89];
	s0 =	simm.s32 @p0 $0x1  }
0x13: {  	[smem:$0x3FA4] =	sst s0;
	s0 =	simm.s32 @!p1 $0x0  }
0x14: {  	s2 =	sld [smem:$0x3F88];
	s0 =	simm.s32 @p1 $0x1  }
0x15: {  	[smem:$0x3FA5] =	sst s0;
	s0 =	simm.s32 @!p2 $0x0  }
0x16: {  	s3 =	sld [smem:$0x3FDB];
	s0 =	simm.s32 @p2 $0x1  }
0x17: {  	s4 =	simm.s32 $0x1BF5;
	[smem:$0x3FA7] =	sst s0  }
0x18: {  	s0 =	sld [smem:$0x3F8A];
	_ =	swait.ge [sflag:s4], $0x0  }
0x19: {  	s7 =	sld [smem:$0x3F8B]  }
0x1a: {  	s8 =	sadd.s32 $0xFFFFE003, lr  }
0x1b: {  	s9 =	sadd.s32 $0xFFFFFEF7, lr;
	s5 =	simm.s32 $0xFFFFFFFF;
	p2 =	slt.u32 s8, $0xFFFFF086  }
0x1c: {  	p1 =	slt.u32 s9, $0xF7A;
	s5 =	simm.s32 @!p2 $0x0  }
0x1d: {  	s5 =	simm.s32 @p1 $0x1;
	p0 =	seq.s32 s7, s2  }
0x1e: {  	s7 =	smul.u32 @!p0 $0xF7A, s2;
	p2 =	seq.s32 @!p0 s5, $0x0  }
0x1f: {  	s9 =	smul.u32 $0xF7A, s1;
	s8 =	simm.s32 @!p0 $0x1BF5;
	p2 =	por !p2, p0  }
0x20: {  	[sflag:s8] =	ssyncset.s32 @!p0 $0xFFFFF086;
	s6 =	sadd.s32 @!p0 s3, s7;
	s7 =	simm.s32 @!p0 $0x108  }
0x21: {  	s3 =	sadd.s32 s3, s9;
	s6 =	sadd.s32 @!p0 $0x88, s6;
	s7 =	simm.s32 @p2 $0x1082  }
0x22: {  	[simem:s7], [sflag:s8] =	dma.local @!p0 [hbm:s6], $0xF7A  }
0x23: {  	s9 =	sor.u32 $0xD0000000, s2;
	s6 =	simm.s32 $0x108;
	_ =	swait.ge @!p0 [sflag:s8], $0x0  }
0x24: {  	s3 =	sadd.s32 $0x88, s3;
	s6 =	simm.s32 @!p1 $0x1082;
	[sflag:s4] =	ssyncset.s32 $0xFFFFF086  }
0x25: {  	[simem:s6], [sflag:s4] =	dma.local [hbm:s3], $0xF7A  }
0x26: {  	[smem:$0x3F8B] =	sst s1;
	(tag) =	ssettag s2;
	_ =	strace s9  }
0x27: {  	s1 =	sld [smem:$0x3F9B]  }
0x28: {  	s2 =	sld [smem:$0x3F9C]  }
0x29: {  	s4 =	sld [smem:$0x3F9E]  }
0x2a: {  	p0 =	seq.s32 s5, $0x0;
	s5 =	sld [smem:$0x3F9F]  }
0x2b: {  	s6 =	sld [smem:$0x3FA0]  }
0x2c: {  	s7 =	sld [smem:$0x3FA1]  }
0x2d: {  	s3 =	simm.s32 $0x108;
	s8 =	sld [smem:$0x3FA2]  }
0x2e: {  	s3 =	simm.s32 @!p0 $0x1082;
	s9 =	sld [smem:$0x3FA3]  }
0x2f: {  	lr =	sadd.s32 s0, s3;
	s0 =	sld [smem:$0x3F9A]  }
0x30: {  	s3 =	sld [smem:$0x3F9D]  }
0x31: {  	[smem:$0x3FA6] =	sst s10  }
0x32: {  	s10 =	sld [smem:$0x3FA4];
	_ =	sdelay $0x3  }
0x33: {  	p0 =	seq.s32 s10, $0x1;
	s10 =	sld [smem:$0x3FA6];
	_ =	sdelay $0x3  }
0x34: {  	[smem:$0x3FA6] =	sst s10  }
0x35: {  	s10 =	sld [smem:$0x3FA5];
	_ =	sdelay $0x3  }
0x36: {  	p1 =	seq.s32 s10, $0x1;
	s10 =	sld [smem:$0x3FA6];
	_ =	sdelay $0x3  }
0x37: {  	[smem:$0x3FA6] =	sst s10  }
0x38: {  	s10 =	sld [smem:$0x3FA7]  }
0x39: {  	_ = 	snop;
	(pc) =	sbr.ind lr, $3  }
0x3a: {  	_ = 	snop  }
0x3b: {  	_ = 	snop  }
0x3c: {  	p2 =	seq.s32 s10, $0x1;
	s10 =	sld [smem:$0x3FA6]  }
0x3d: {  	_ =	shalt  }
0x3e: {  	_ =	shalt  }
0x3f: {  	_ =	shalt  }
0x40: {  	_ =	shalt  }
0x41: {  	_ =	shalt  }
0x42: {  	_ =	shalt  }
0x43: {  	_ =	shalt  }
0x44: {  	_ =	shalt  }
0x45: {  	_ =	shalt  }
0x46: {  	_ =	shalt  }
0x47: {  	_ =	shalt  }
0x48: {  	_ =	shalt  }
0x49: {  	_ =	shalt  }
0x4a: {  	_ =	shalt  }
0x4b: {  	_ =	shalt  }
0x4c: {  	_ =	shalt  }
0x4d: {  	_ =	shalt  }
0x4e: {  	_ =	shalt  }
0x4f: {  	_ =	shalt  }
0x50: {  	_ =	shalt  }
0x51: {  	_ =	shalt  }
0x52: {  	_ =	shalt  }
0x53: {  	_ =	shalt  }
0x54: {  	_ =	shalt  }
0x55: {  	_ =	shalt  }
0x56: {  	_ =	shalt  }
0x57: {  	_ =	shalt  }
0x58: {  	_ =	shalt  }
0x59: {  	_ =	shalt  }
0x5a: {  	_ =	shalt  }
0x5b: {  	_ =	shalt  }
0x5c: {  	_ =	shalt  }
0x5d: {  	_ =	shalt  }
0x5e: {  	_ =	shalt  }
0x5f: {  	_ =	shalt  }
0x60: {  	_ =	shalt  }
0x61: {  	_ =	shalt  }
0x62: {  	_ =	shalt  }
0x63: {  	_ =	shalt  }
0x64: {  	_ =	shalt  }
0x65: {  	_ =	shalt  }
0x66: {  	_ =	shalt  }
0x67: {  	_ =	shalt  }
0x68: {  	_ =	shalt  }
0x69: {  	_ =	shalt  }
0x6a: {  	_ =	shalt  }
0x6b: {  	_ =	shalt  }
0x6c: {  	_ =	shalt  }
0x6d: {  	_ =	shalt  }
0x6e: {  	_ =	shalt  }
0x6f: {  	_ =	shalt  }
0x70: {  	_ =	shalt  }
0x71: {  	_ =	shalt  }
0x72: {  	_ =	shalt  }
0x73: {  	_ =	shalt  }
0x74: {  	_ =	shalt  }
0x75: {  	_ =	shalt  }
0x76: {  	_ =	shalt  }
0x77: {  	_ =	shalt  }
0x78: {  	_ =	shalt  }
0x79: {  	_ =	shalt  }
0x7a: {  	_ =	shalt  }
0x7b: {  	_ =	shalt  }
0x7c: {  	_ =	shalt  }
0x7d: {  	_ =	shalt  }
0x7e: {  	_ =	shalt  }
0x7f: {  	_ =	shalt  }
0x80: {  	_ =	shalt  }
0x81: {  	_ =	shalt  }
0x82: {  	_ =	shalt  }
0x83: {  	_ =	shalt  }
0x84: {  	_ =	shalt  }
0x85: {  	_ =	shalt  }
0x86: {  	_ =	shalt  }
0x87: {  	_ =	shalt  }
.Lfunc_end0:
.L_simem_size_0:
called_computation.2_lowered:
.L_overlay_start_0:
0x88: {  	s2 =	sld [smem:$0x3FD9]  }
0x89: {  	s3 =	sld [smem:$0x3FFE];
	_ =	sdelay $0x1  }
0x8a: {  	s1 =	srdreg.scid  }
0x8b: {  	s0 =	sand.u32 $0x1, s1  }
0x8c: {  	s16 =	sshll.u32 s0, $0xA;
	s2 =	sadd.s32 s3, s2  }
0x8d: {  	s2 =	sadd.s32 s2, s16  }
0x8e: {  	[smem:$0x3FB2] =	sst s2  }
0x8f: {  	_ = 	snop  }
0x90: {  	(tm) =	ssettm $0x1  }
0x91: {  	s17 =	sld [smem:$0x3FFB];
	_ =	sdelay $0x3  }
0x92: {  	_ =	strace s17  }
0x93: {  	s2 =	sld [smem:$0x3FFC];
	_ =	sdelay $0x3  }
0x94: {  	_ =	strace s2  }
0x95: {  	s2 =	sld [smem:$0x3FFD];
	_ =	sdelay $0x3  }
0x96: {  	_ =	strace s2  }
0x97: {  	_ =	strace $0x8FFFFFFF  }
0x98: {  	s18 =	sld [smem:$0x3FDB];
	_ =	sdelay $0x1  }
0x99: {  	s19 =	simm.s32 $_scs_section_size  }
0x9a: {  	s4 =	simm.s32 $_size__tile_overlayer_lowered;
	s5 =	simm.s32 $_tile_overlayer_lowered  }
0x9b: {  	s22 =	simm.s32 $0x1BFF;
	s21 =	sshll.u32 s5, $0x1;
	s2 =	sadd.s32 s19, s18  }
0x9c: {  	s6 =	simm.s32 $0x0;
	s20 =	sshll.u32 s4, $0x1;
	s4 =	sadd.s32 s21, s2  }
0x9d: {  	[timem:s6], [sflag:s22] =	dma.local [hbm:s4], s20  }
0x9e: {  	_ =	swait.ge [sflag:s22], s20  }
0x9f: {  	s3 =	ssub.s32 $0x0, s20;
	[sflag:s22] =	ssyncset.done $0x0  }
0xa0: {  	[sflag:s22] =	ssyncadd.s32 s3;
	_ =	sdelay $0x1  }
0xa1: {  	s23 =	simm.s32 $0x1B8B  }
0xa2: {  	_ =	swait.ge [sflag:s23], $0x1  }
0xa3: {  	[sflag:s23] =	ssyncset.done $0x0  }
0xa4: {  	s25 =	simm.s32 $0x1B8E;
	s24 =	sld [smem:$0x3FFE];
	[sflag:s23] =	ssyncadd.s32 $0xFFFFFFFF  }
0xa5: {  	s26 =	simm.s32 $execute0_lowered;
	[smem:$0x3FD2] =	sst s25  }
0xa6: {  	s4 =	sshll.u32 s26, $0x1;
	_ =	strace $0x8000004C;
	[dreg:$0x1] =	wrdreg $0xFFFFFFFF  }
0xa7: {  	s28 =	simm.s32 $_size_execute0_lowered;
	s2 =	sadd.s32 s2, s4;
	[dreg:$0x0] =	wrdreg $0x0  }
0xa8: {  	s4 =	sshll.u32 s28, $0x1;
	[dreg:$0x2] =	wrdreg s2  }
0xa9: {  	[dreg:$0x3] =	wrdreg s4  }
0xaa: {  	[dreg:$0x4] =	wrdreg $0xC0  }
0xab: {  	_ =	task [dreg:s6], $0x5FFFF  }
0xac: {  	[dreg:$0x1] =	wrdreg $0xFFFFFFFF  }
0xad: {  	[dreg:$0x0] =	wrdreg $0x60  }
0xae: {  	[dreg:$0x2] =	wrdreg s24  }
0xaf: {  	[dreg:$0x3] =	wrdreg $0xB0400  }
0xb0: {  	[dreg:$0x4] =	wrdreg $0x9  }
0xb1: {  	_ =	task.clear_ibuf [dreg:s6], $0x5FFFF;
	_ =	strace $0x9000004C  }
0xb2: {  	s29 =	simm.s32 $0x9;
	_ =	strace $0x8000004E  }
0xb3: {  	_ =	swait.ge [sflag:s29], $0x1  }
0xb4: {  	[sflag:s29] =	ssyncadd.s32 $0xFFFFFFFF  }
0xb5: {  	_ =	strace $0x9000004E  }
0xb6: {  	_ =	sfence  }
0xb7: {  	s30 =	sld [smem:$0x0];
	_ =	sdelay $0x2  }
0xb8: {  	s31 =	sshll.u32 s1, $0xD;
	s1 =	sshrl.u32 s1, $0x2  }
0xb9: {  	s3 =	sand.u32 $0x4000, s31;
	s1 =	sadd.s32 s1, s30  }
0xba: {  	s0 =	sor.u32 s3, s0;
	s1 =	sshll.u32 s1, $0x11  }
0xbb: {  	s0 =	sor.u32 s1, s0  }
0xbc: {  	s0 =	sadd.s32 $0x8F2B, s0  }
0xbd: {  	[sflag:s0] =	ssyncadd.remote.s32 $0x1  }
0xbe: {  	_ =	sfence.sel $0xFFFF  }
0xbf: {  	[dreg:$0x0] =	wrdreg $0xFFFFFFFF;
	(pc) =	sbr.abs _section_cstart, $3  }
0xc0: {  	[dreg:$0x1] =	wrdreg $0xFFFFFFFF  }
0xc1: {  	_ =	task.clear_ibuf [dreg:s6], $0x2FFFF;
	_ =	strace $0x9FFFFFFF  }
0xc2: {  	(tm) =	ssettm $0x7FFFFFFF  }
0xc3: {  	_ =	shalt  }
tec
execute0_lowered:
.L_overlay_start_1:
0x0: {  	(tag) =	ssettag $0x1  }
0x1: {  	s0 =	srdreg.scid  }
0x2: {  	s5 =	sand.u32 $0x1, s0  }
0x3: {  	s0 =	stileid.u32;
	s4 =	smul.u32 $0x4E200, s5  }
0x4: {  	s6 =	rddreg [dreg:$0x0];
	s7 =	smul.u32 $0x4E20, s0  }
0x5: {  	s2 =	rddreg [dreg:$0x1];
	s8 =	smul.u32 $0x9C40, s5  }
0x6: {  	s1 =	rddreg [dreg:$0x2];
	s9 =	smul.u32 $0x9C4, s0  }
0x7: {  	s3 =	simm.s32 $0x0;
	s15 =	simm.s32 $0x9C40;
	s10 =	smul.u32 $0x9C40, s0  }
0x8: {  	s16 =	simm.s32 $0x0;
	[smem:$0x7FF] =	sst s3;
	s25 =	smul.u32 $0x1388, s0  }
0x9: {  	_ =	strace $0x8000004D;
	s26 =	smul.u32 $0x13880, s5;
	s5 =	ssub.s32 $0x2, s5  }
0xa: {  	s31 =	sshll.u32 s0, $0x6;
	s30 =	sshrl.u32 s5, $0x1;
	s4 =	sadd.s32 s7, s4  }
0xb: {  	s8 =	sadd.s32 s9, s8;
	s12 =	sshrl.u32 s10, $0x3;
	s7 =	sadd.s32 s25, s26  }
0xc: {  	s13 =	ssub.s32 s5, s30;
	s14 =	sadd.s32 s10, s2;
	s10 =	simm.s32 $0x1  }
0xd: {  	s11 =	sshrl.u32 s4, $0x3;
	s4 =	sadd.s32 $0xD7200, s6;
	s8 =	sadd.s32 s8, s6  }
0xe: {  	s28 =	sadd.s32 s12, s6;
	s29 =	sadd.s32 s7, s6;
	s9 =	smax.u32 s13, $0x1  }
0xf: {  	s12 =	sor.u32 $0x1C01, s31;
	s13 =	sshrl.u32 s14, $0x3;
	s14 =	simm.s32 $0x50  }
0x10: {  	s11 =	sadd.s32 s11, s6;
	s6 =	sadd.s32 $0x4600, s8;
	s7 =	sadd.s32 $0xFE400, s28  }
0x11: {  	s8 =	sadd.s32 $0x111E00, s29;
	s5 =	sadd.s32 $0x27000, s11;
	s11 =	simm.s32 $0x4E20  }
.LBB2_1:
0x12: {  	[tilespmem:s3], [sflag:$0x1] =	stream.linear.gather [hbm4b:s5+s3], $0x4E20, $0x38;
	[tilespmem:$0x14C80] =	vst v63  }
0x13: {  	_ =	swait.ge [sflag:s10], $0x4E20  }
0x14: {  	[sflag:s10] =	ssyncset.done $0x0  }
0x15: {  	[sflag:s10] =	ssyncadd.s32 $0xFFFFB1E0  }
0x16: {  	[tilespmem:s11], [sflag:$0x1] =	stream.linear.gather [hbm4b:s6+s3], $0x4E20, $0x38;
	[tilespmem:$0x14C80] =	vst v63  }
0x17: {  	_ =	swait.ge [sflag:s10], $0x4E20  }
0x18: {  	[sflag:s10] =	ssyncset.done $0x0  }
0x19: {  	[sflag:s10] =	ssyncadd.s32 $0xFFFFB1E0  }
0x1a: {  	[spmem:s13], [sflag:s12] =	dma.local [hbm:s7], $0x1388  }
0x1b: {  	_ =	swait.ge [sflag:s10], $0x1388  }
0x1c: {  	[sflag:s10] =	ssyncset.done $0x0  }
0x1d: {  	[sflag:s10] =	ssyncadd.s32 $0xFFFFEC78  }
0x1e: {  	s17 =	simm.s32 $0x0;
	[bflag:$0x0] =	sbarrier.arrive $0xFFFF  }
0x1f: {  	[tilespmem:s15], [sflag:$0x1] =	stream.indirect.gather [hbm4b:s4+s14], $0x40, s17, s14, $0xb8;
	[tilespmem:$0x14C80] =	vst v63  }
0x20: {  	_ =	swait.ge [sflag:s10], $0x1400  }
0x21: {  	[sflag:s10] =	ssyncset.done $0x0  }
0x22: {  	s31 =	simm.s32 $0x4E20;
	[sflag:s10] =	ssyncadd.s32 $0xFFFFEC00  }
0x23: {  	[spmem:s2] =	stream.indirect.scatter.add.f32 [tilespmem:s15], [sflag:$0x1], $0x40, s31, s14, $0xb8;
	[tilespmem:$0x14C80] =	vst v63  }
0x24: {  	_ =	swait.ge [sflag:s10], $0x1400  }
0x25: {  	s18 =	simm.s32 $0x280;
	s17 =	simm.s32 $0x140;
	[sflag:s10] =	ssyncset.done $0x0  }
.LBB2_2:
0x26: {  	s19 =	sshra.s32 s17, $0x2  }
0x27: {  	[sflag:s10] =	ssyncadd.s32 $0xFFFFEC00;
	s17 =	smov.u32 s18;
	s20 =	sadd.s32 $0x140, s18  }
0x28: {  	[tilespmem:s15], [sflag:$0x1] =	stream.indirect.gather [hbm4b:s4+s14], $0x40, s19, s14, $0xb8;
	[tilespmem:$0x14C80] =	vst v63  }
0x29: {  	p0 =	sne.s32 s18, $0x13740;
	_ =	swait.ge [sflag:s10], $0x1400  }
.Ltmp0:
0x2a: {  	[sflag:s10] =	ssyncset.done $0x0;
	(pc) =	sbr.rel @p0 .LBB2_2-.Ltmp0, $4  }
0x2b: {  	s18 =	sadd.s32 $0x4E20, s19;
	[sflag:s10] =	ssyncadd.s32 $0xFFFFEC00  }
0x2c: {  	[spmem:s2] =	stream.indirect.scatter.add.f32 [tilespmem:s15], [sflag:$0x1], $0x40, s18, s14, $0xb8;
	[tilespmem:$0x14C80] =	vst v63  }
0x2d: {  	_ =	swait.ge [sflag:s10], $0x1400  }
0x2e: {  	s18 =	smov.u32 s20;
	[sflag:s10] =	ssyncset.done $0x0  }
0x2f: {  	s17 =	sshra.s32 s17, $0x2;
	[sflag:s10] =	ssyncadd.s32 $0xFFFFEC00  }
0x30: {  	[tilespmem:s15], [sflag:$0x1] =	stream.indirect.gather [hbm4b:s4+s14], $0x40, s17, s14, $0xb8;
	[tilespmem:$0x14C80] =	vst v63  }
0x31: {  	_ =	swait.ge [sflag:s10], $0x1400  }
0x32: {  	[sflag:s10] =	ssyncset.done $0x0  }
0x33: {  	s17 =	sadd.s32 $0x4E20, s17;
	[sflag:s10] =	ssyncadd.s32 $0xFFFFEC00  }
0x34: {  	[spmem:s2] =	stream.indirect.scatter.add.f32 [tilespmem:s15], [sflag:$0x1], $0x40, s17, s14, $0xb8;
	[tilespmem:$0x14C80] =	vst v63  }
0x35: {  	_ =	swait.ge [sflag:s10], $0x1400  }
0x36: {  	s16 =	sadd.s32 $0x1, s16;
	[sflag:s10] =	ssyncset.done $0x0  }
0x37: {  	p0 =	sne.s32 s16, s9;
	[sflag:s10] =	ssyncadd.s32 $0xFFFFEC00  }
.Ltmp1:
0x38: {  	[bflag:$0x0] =	sbarrier.arrive $0xFFFF;
	(pc) =	sbr.rel @p0 .LBB2_1-.Ltmp1, $4  }
0x39: {  	[hbm:s8], [sflag:s12] =	dma.local [spmem:s13], $0x1388  }
0x3a: {  	_ =	swait.ge [sflag:s10], $0x1388  }
0x3b: {  	[sflag:s10] =	ssyncset.done $0x0  }
0x3c: {  	[sflag:s10] =	ssyncadd.s32 $0xFFFFEC78  }
0x3d: {  	_ =	sfence.sel $0x180000  }
0x3e: {  	[bflag:$0x0] =	sbarrier.arrive $0xFFFF  }
0x3f: {  	p0 =	sne.s32 s0, $0x0;
	_ =	strace $0x9000004D  }
0x40: {  	s0 =	sadd.s32 @!p0 $0x100000, s1;
	[bflag:$0x2] =	sbarrier.arrive $0xFFFF  }
0x41: {  	[sflag:s0] =	ssyncadd.tile.s32 @!p0 $0x1;
	_ =	shalt  }
.Lfunc_end2:
_tile_overlayer_lowered:
.L_overlay_start_2:
0x42: {  	(tag) =	ssettag $0x2  }
0x43: {  	s0 =	rddreg [dreg:$0x0];
	s2 =	stileid.u32  }
0x44: {  	s1 =	rddreg [dreg:$0x1];
	p0 =	sne.s32 s2, $0x0  }
0x45: {  	s3 =	rddreg [dreg:$0x2];
	[bflag:$0x3] =	sbarrier.arrive $0xFFFF;
	s2 =	simm.s32 @!p0 $0x1C01  }
0x46: {  	[timem:s3], [sflag:s2] =	dma.local @!p0 [hbm:s0], s1  }
0x47: {  	s0 =	simm.s32 @!p0 $0x1  }
0x48: {  	_ =	swait.ge @!p0 [sflag:s0], s1  }
0x49: {  	s1 =	ssub.s32 @!p0 $0x0, s1;
	[sflag:s0] =	ssyncset.done @!p0 $0x0  }
0x4a: {  	[sflag:s0] =	ssyncadd.s32 @!p0 s1  }
0x4b: {  	[bflag:$0x3] =	sbarrier.arrive $0xFFFF  }
0x4c: {  	_ =	shalt  }

</sc_bundles>
